<compile_context>
chip_gen: v7x
topology: tpu7x:2x2x1
jax: 0.10.2.dev20260603
libtpu: 0.0.44.dev20260713+nightly
codegen_flags: <defaults>
</compile_context>

<pallas_src>
import jax
import jax.numpy as jnp
from jax import lax
from jax.experimental import pallas as pl
from jax.experimental.pallas import tpu as pltpu
from jax.experimental.pallas import tpu_sc as plsc

N_ROWS = 100000
DIM = 128
NW = 32
W = 3200
CH = 80
NCH = W // CH
NBUF = 8
STEPS = NCH // NBUF


def _emb_body(idx_hbm, table_hbm, out_hbm, idx_v, table_sh, bufs, gsem, wsem, lsem):
    wid = lax.axis_index("s") * 2 + lax.axis_index("c")
    base = jnp.minimum(wid * W, N_ROWS - W)

    cp_i = pltpu.async_copy(idx_hbm.at[pl.ds(base, W)], idx_v, lsem)

    @pl.when(lax.axis_index("s") == 0)
    def _():
        pltpu.sync_copy(table_hbm, table_sh)

    cp_i.wait()
    plsc.subcore_barrier()

    def gather(c, b):
        return pltpu.make_async_copy(
            table_sh.at[idx_v.at[pl.ds(c * CH, CH)]],
            bufs.at[pl.ds(b * CH, CH)],
            gsem.at[b],
        )

    def write(c, b):
        return pltpu.make_async_copy(
            bufs.at[pl.ds(b * CH, CH)],
            out_hbm.at[pl.ds(base + c * CH, CH)],
            wsem.at[b],
        )

    for b in range(NBUF):
        gather(b, b).start()

    def step(s, carry):
        for b in range(NBUF):
            c = s * NBUF + b
            gather(c, b).wait()
            write(c, b).start()
        for b in range(NBUF):
            c = s * NBUF + b
            write(c, b).wait()

            @pl.when(c + NBUF < NCH)
            def _():
                gather(c + NBUF, b).start()

        return carry

    lax.fori_loop(0, STEPS, step, 0)


@jax.jit
def kernel(node_type, table):
    mesh = plsc.VectorSubcoreMesh(core_axis_name="c", subcore_axis_name="s")
    k = pl.kernel(
        _emb_body,
        out_type=jax.ShapeDtypeStruct((N_ROWS, DIM), jnp.float32),
        mesh=mesh,
        scratch_types=[
            pltpu.VMEM((W,), jnp.int32),
            pltpu.VMEM_SHARED((100, DIM), jnp.float32),
            pltpu.VMEM((NBUF * CH, DIM), jnp.float32),
            pltpu.SemaphoreType.DMA((NBUF,)),
            pltpu.SemaphoreType.DMA((NBUF,)),
            pltpu.SemaphoreType.DMA,
        ],
    )
    return k(node_type.astype(jnp.int32), table)

# --- scband reference (transcript-rebuilt; emitter-appended) ---
"""Pipeline reference for scband-atom-embedding-16449724744292 (READ-ONLY COPY).

The authoritative reference and input builder live on the scoring server;
editing this copy changes nothing except your own understanding.
"""

import jax, jax.numpy as jnp
import numpy as np

N_NODES = 100000
TYPE_NUM = 100
DIM = 128

def setup_inputs(seed: int = 0) -> dict:
    key = jax.random.key(seed)
    k1, k2 = jax.random.split(key)
    node_type = jax.random.randint(k1, (N_NODES,), 0, TYPE_NUM, dtype=jnp.int64 if jax.config.jax_enable_x64 else jnp.int32)
    # nn.Embedding default init: N(0,1); padding_idx=0 row is zeroed
    table = jax.random.normal(k2, (TYPE_NUM, DIM), dtype=jnp.float32)
    table = table.at[0].set(0.0)
    return {"node_type": node_type, "table": table}

def reference(node_type, table):
    # AtomEmbedding.forward: embedding lookup of node_type -> [N, dim]
    return jnp.take(table, node_type, axis=0)

if __name__ == "__main__":
    import jax
    _d = setup_inputs()
    print(jax.jit(kernel)(*tuple(_d.values())))

</pallas_src>

<mosaic_0001>
#map = affine_map<(d0, d1) -> (0)>
#map1 = affine_map<(d0, d1) -> (0, 0)>
module attributes {stable_mosaic.version = 14 : i64} {
  func.func @_emb_body(%arg0: i32, %arg1: i32, %arg2: memref<100000xi32, #tpu.memory_space<hbm>>, %arg3: memref<100x128xf32, #tpu.memory_space<hbm>>, %arg4: memref<100000x128xf32, #tpu.memory_space<hbm>>, %arg5: memref<3200xi32, #tpu.memory_space<vmem>>, %arg6: memref<100x128xf32, #tpu.memory_space<vmem_shared>>, %arg7: memref<640x128xf32, #tpu.memory_space<vmem>>, %arg8: memref<8x!tpu.dma_semaphore, #tpu.memory_space<semaphore_mem>>, %arg9: memref<8x!tpu.dma_semaphore, #tpu.memory_space<semaphore_mem>>, %arg10: memref<!tpu.dma_semaphore, #tpu.memory_space<semaphore_mem>>) attributes {dimension_semantics = [#tpu.dimension_semantics<core_parallel>, #tpu.dimension_semantics<subcore_parallel>], iteration_bounds = array<i64: 2, 16>, scalar_prefetch = 0 : i64, scratch_operands = 6 : i64, tpu.core_type = #tpu.core_type<sc_vector_subcore>, window_params = [{transform_indices = #map}, {transform_indices = #map1}, {transform_indices = #map1}]} {
    %mul3A = arith.constant 2 : i32
    %mul3A_0 = arith.muli %arg1, %mul3A : i32
    %add3A = arith.addi %mul3A_0, %arg0 : i32
    %mul3A_1 = arith.constant 3200 : i32
    %mul3A_2 = arith.muli %add3A, %mul3A_1 : i32
    %min3A = arith.constant 96800 : i32
    %min3A_3 = arith.minsi %mul3A_2, %min3A : i32
    %dma_start3A = tpu.memref_slice %arg2[%min3A_3] : memref<100000xi32, #tpu.memory_space<hbm>> -> memref<3200xi32, #tpu.memory_space<hbm>>
    %dma_start3A_4 = tpu.memref_slice %arg2[%min3A_3] : memref<100000xi32, #tpu.memory_space<hbm>> -> memref<3200xi32, #tpu.memory_space<hbm>>
    tpu.enqueue_dma source(%dma_start3A_4 : memref<3200xi32, #tpu.memory_space<hbm>>) target(%arg5 : memref<3200xi32, #tpu.memory_space<vmem>>) target_semaphore(%arg10 : memref<!tpu.dma_semaphore, #tpu.memory_space<semaphore_mem>>)
    %eq3A = arith.constant 0 : i32
    %eq3A_5 = arith.cmpi eq, %arg1, %eq3A : i32
    %convert_element_type3A = arith.extui %eq3A_5 : i1 to i32
    %cond3A = arith.constant 0 : i32
    %cond3A_6 = arith.cmpi ne, %convert_element_type3A, %cond3A : i32
    scf.if %cond3A_6 {
      "tpu.region"() ({
        %run_scoped3A = tpu.sem_alloc : memref<!tpu.dma_semaphore, #tpu.memory_space<semaphore_mem>>
        tpu.enqueue_dma source(%arg3 : memref<100x128xf32, #tpu.memory_space<hbm>>) target(%arg6 : memref<100x128xf32, #tpu.memory_space<vmem_shared>>) target_semaphore(%run_scoped3A : memref<!tpu.dma_semaphore, #tpu.memory_space<semaphore_mem>>)
        tpu.wait_dma2 semaphore(%run_scoped3A : memref<!tpu.dma_semaphore, #tpu.memory_space<semaphore_mem>>) src(%arg3 : memref<100x128xf32, #tpu.memory_space<hbm>>) dst(%arg6 : memref<100x128xf32, #tpu.memory_space<vmem_shared>>)
        tpu.yield
      }) : () -> ()
    } else {
    }
    %dma_wait3A = tpu.memref_slice %arg2[%min3A_3] : memref<100000xi32, #tpu.memory_space<hbm>> -> memref<3200xi32, #tpu.memory_space<hbm>>
    %dma_wait3A_7 = tpu.memref_slice %arg2[%min3A_3] : memref<100000xi32, #tpu.memory_space<hbm>> -> memref<3200xi32, #tpu.memory_space<hbm>>
    tpu.wait_dma2 semaphore(%arg10 : memref<!tpu.dma_semaphore, #tpu.memory_space<semaphore_mem>>) src(%dma_wait3A_7 : memref<3200xi32, #tpu.memory_space<hbm>>) dst(%arg5 : memref<3200xi32, #tpu.memory_space<vmem>>)
    %barrier3A = arith.constant 0 : index
    tpu.barrier barrier_id(%barrier3A)
    %dma_start3A_8 = arith.constant 0 : i32
    %dma_start3A_9 = arith.constant 0 : i32
    %dma_start3A_10 = arith.constant 0 : i32
    %dma_start3A_11 = tpu.memref_slice %arg7[%dma_start3A_9, %dma_start3A_10] : memref<640x128xf32, #tpu.memory_space<vmem>> -> memref<80x128xf32, #tpu.memory_space<vmem>>
    %dma_start3A_12 = arith.constant 0 : i32
    %dma_start3A_13 = tpu.memref_slice %arg5[%dma_start3A_12] : memref<3200xi32, #tpu.memory_space<vmem>> -> memref<80xi32, #tpu.memory_space<vmem>>
    %dma_start3A_14 = arith.constant 0 : i32
    %dma_start3A_15 = arith.constant 0 : i32
    %dma_start3A_16 = tpu.memref_slice %arg6[%dma_start3A_14, %dma_start3A_15] : memref<100x128xf32, #tpu.memory_space<vmem_shared>> -> memref<100x128xf32, #tpu.memory_space<vmem_shared>>
    %dma_start3A_17 = tpu.memref_slice %arg8[%dma_start3A_8] : memref<8x!tpu.dma_semaphore, #tpu.memory_space<semaphore_mem>> -> memref<1x!tpu.dma_semaphore, #tpu.memory_space<semaphore_mem>>
    %dma_start3A_18 = tpu.memref_squeeze %dma_start3A_17 : memref<1x!tpu.dma_semaphore, #tpu.memory_space<semaphore_mem>> -> memref<!tpu.dma_semaphore, #tpu.memory_space<semaphore_mem>>
    tpu.enqueue_indirect_dma source(%dma_start3A_16 : memref<100x128xf32, #tpu.memory_space<vmem_shared>>) target(%dma_start3A_11 : memref<80x128xf32, #tpu.memory_space<vmem>>) offsets(%dma_start3A_13 : memref<80xi32, #tpu.memory_space<vmem>>) semaphore(%dma_start3A_18 : memref<!tpu.dma_semaphore, #tpu.memory_space<semaphore_mem>>)
    %dma_start3A_19 = arith.constant 1 : i32
    %dma_start3A_20 = arith.constant 80 : i32
    %dma_start3A_21 = arith.constant 0 : i32
    %dma_start3A_22 = tpu.memref_slice %arg7[%dma_start3A_20, %dma_start3A_21] : memref<640x128xf32, #tpu.memory_space<vmem>> -> memref<80x128xf32, #tpu.memory_space<vmem>>
    %dma_start3A_23 = arith.constant 80 : i32
    %dma_start3A_24 = tpu.memref_slice %arg5[%dma_start3A_23] : memref<3200xi32, #tpu.memory_space<vmem>> -> memref<80xi32, #tpu.memory_space<vmem>>
    %dma_start3A_25 = arith.constant 0 : i32
    %dma_start3A_26 = arith.constant 0 : i32
    %dma_start3A_27 = tpu.memref_slice %arg6[%dma_start3A_25, %dma_start3A_26] : memref<100x128xf32, #tpu.memory_space<vmem_shared>> -> memref<100x128xf32, #tpu.memory_space<vmem_shared>>
    %dma_start3A_28 = tpu.memref_slice %arg8[%dma_start3A_19] : memref<8x!tpu.dma_semaphore, #tpu.memory_space<semaphore_mem>> -> memref<1x!tpu.dma_semaphore, #tpu.memory_space<semaphore_mem>>
    %dma_start3A_29 = tpu.memref_squeeze %dma_start3A_28 : memref<1x!tpu.dma_semaphore, #tpu.memory_space<semaphore_mem>> -> memref<!tpu.dma_semaphore, #tpu.memory_space<semaphore_mem>>
    tpu.enqueue_indirect_dma source(%dma_start3A_27 : memref<100x128xf32, #tpu.memory_space<vmem_shared>>) target(%dma_start3A_22 : memref<80x128xf32, #tpu.memory_space<vmem>>) offsets(%dma_start3A_24 : memref<80xi32, #tpu.memory_space<vmem>>) semaphore(%dma_start3A_29 : memref<!tpu.dma_semaphore, #tpu.memory_space<semaphore_mem>>)
    %dma_start3A_30 = arith.constant 2 : i32
    %dma_start3A_31 = arith.constant 160 : i32
    %dma_start3A_32 = arith.constant 0 : i32
    %dma_start3A_33 = tpu.memref_slice %arg7[%dma_start3A_31, %dma_start3A_32] : memref<640x128xf32, #tpu.memory_space<vmem>> -> memref<80x128xf32, #tpu.memory_space<vmem>>
    %dma_start3A_34 = arith.constant 160 : i32
    %dma_start3A_35 = tpu.memref_slice %arg5[%dma_start3A_34] : memref<3200xi32, #tpu.memory_space<vmem>> -> memref<80xi32, #tpu.memory_space<vmem>>
    %dma_start3A_36 = arith.constant 0 : i32
    %dma_start3A_37 = arith.constant 0 : i32
    %dma_start3A_38 = tpu.memref_slice %arg6[%dma_start3A_36, %dma_start3A_37] : memref<100x128xf32, #tpu.memory_space<vmem_shared>> -> memref<100x128xf32, #tpu.memory_space<vmem_shared>>
    %dma_start3A_39 = tpu.memref_slice %arg8[%dma_start3A_30] : memref<8x!tpu.dma_semaphore, #tpu.memory_space<semaphore_mem>> -> memref<1x!tpu.dma_semaphore, #tpu.memory_space<semaphore_mem>>
    %dma_start3A_40 = tpu.memref_squeeze %dma_start3A_39 : memref<1x!tpu.dma_semaphore, #tpu.memory_space<semaphore_mem>> -> memref<!tpu.dma_semaphore, #tpu.memory_space<semaphore_mem>>
    tpu.enqueue_indirect_dma source(%dma_start3A_38 : memref<100x128xf32, #tpu.memory_space<vmem_shared>>) target(%dma_start3A_33 : memref<80x128xf32, #tpu.memory_space<vmem>>) offsets(%dma_start3A_35 : memref<80xi32, #tpu.memory_space<vmem>>) semaphore(%dma_start3A_40 : memref<!tpu.dma_semaphore, #tpu.memory_space<semaphore_mem>>)
    %dma_start3A_41 = arith.constant 3 : i32
    %dma_start3A_42 = arith.constant 240 : i32
    %dma_start3A_43 = arith.constant 0 : i32
    %dma_start3A_44 = tpu.memref_slice %arg7[%dma_start3A_42, %dma_start3A_43] : memref<640x128xf32, #tpu.memory_space<vmem>> -> memref<80x128xf32, #tpu.memory_space<vmem>>
    %dma_start3A_45 = arith.constant 240 : i32
    %dma_start3A_46 = tpu.memref_slice %arg5[%dma_start3A_45] : memref<3200xi32, #tpu.memory_space<vmem>> -> memref<80xi32, #tpu.memory_space<vmem>>
    %dma_start3A_47 = arith.constant 0 : i32
    %dma_start3A_48 = arith.constant 0 : i32
    %dma_start3A_49 = tpu.memref_slice %arg6[%dma_start3A_47, %dma_start3A_48] : memref<100x128xf32, #tpu.memory_space<vmem_shared>> -> memref<100x128xf32, #tpu.memory_space<vmem_shared>>
    %dma_start3A_50 = tpu.memref_slice %arg8[%dma_start3A_41] : memref<8x!tpu.dma_semaphore, #tpu.memory_space<semaphore_mem>> -> memref<1x!tpu.dma_semaphore, #tpu.memory_space<semaphore_mem>>
    %dma_start3A_51 = tpu.memref_squeeze %dma_start3A_50 : memref<1x!tpu.dma_semaphore, #tpu.memory_space<semaphore_mem>> -> memref<!tpu.dma_semaphore, #tpu.memory_space<semaphore_mem>>
    tpu.enqueue_indirect_dma source(%dma_start3A_49 : memref<100x128xf32, #tpu.memory_space<vmem_shared>>) target(%dma_start3A_44 : memref<80x128xf32, #tpu.memory_space<vmem>>) offsets(%dma_start3A_46 : memref<80xi32, #tpu.memory_space<vmem>>) semaphore(%dma_start3A_51 : memref<!tpu.dma_semaphore, #tpu.memory_space<semaphore_mem>>)
    %dma_start3A_52 = arith.constant 4 : i32
    %dma_start3A_53 = arith.constant 320 : i32
    %dma_start3A_54 = arith.constant 0 : i32
    %dma_start3A_55 = tpu.memref_slice %arg7[%dma_start3A_53, %dma_start3A_54] : memref<640x128xf32, #tpu.memory_space<vmem>> -> memref<80x128xf32, #tpu.memory_space<vmem>>
    %dma_start3A_56 = arith.constant 320 : i32
    %dma_start3A_57 = tpu.memref_slice %arg5[%dma_start3A_56] : memref<3200xi32, #tpu.memory_space<vmem>> -> memref<80xi32, #tpu.memory_space<vmem>>
    %dma_start3A_58 = arith.constant 0 : i32
    %dma_start3A_59 = arith.constant 0 : i32
    %dma_start3A_60 = tpu.memref_slice %arg6[%dma_start3A_58, %dma_start3A_59] : memref<100x128xf32, #tpu.memory_space<vmem_shared>> -> memref<100x128xf32, #tpu.memory_space<vmem_shared>>
    %dma_start3A_61 = tpu.memref_slice %arg8[%dma_start3A_52] : memref<8x!tpu.dma_semaphore, #tpu.memory_space<semaphore_mem>> -> memref<1x!tpu.dma_semaphore, #tpu.memory_space<semaphore_mem>>
    %dma_start3A_62 = tpu.memref_squeeze %dma_start3A_61 : memref<1x!tpu.dma_semaphore, #tpu.memory_space<semaphore_mem>> -> memref<!tpu.dma_semaphore, #tpu.memory_space<semaphore_mem>>
    tpu.enqueue_indirect_dma source(%dma_start3A_60 : memref<100x128xf32, #tpu.memory_space<vmem_shared>>) target(%dma_start3A_55 : memref<80x128xf32, #tpu.memory_space<vmem>>) offsets(%dma_start3A_57 : memref<80xi32, #tpu.memory_space<vmem>>) semaphore(%dma_start3A_62 : memref<!tpu.dma_semaphore, #tpu.memory_space<semaphore_mem>>)
    %dma_start3A_63 = arith.constant 5 : i32
    %dma_start3A_64 = arith.constant 400 : i32
    %dma_start3A_65 = arith.constant 0 : i32
    %dma_start3A_66 = tpu.memref_slice %arg7[%dma_start3A_64, %dma_start3A_65] : memref<640x128xf32, #tpu.memory_space<vmem>> -> memref<80x128xf32, #tpu.memory_space<vmem>>
    %dma_start3A_67 = arith.constant 400 : i32
    %dma_start3A_68 = tpu.memref_slice %arg5[%dma_start3A_67] : memref<3200xi32, #tpu.memory_space<vmem>> -> memref<80xi32, #tpu.memory_space<vmem>>
    %dma_start3A_69 = arith.constant 0 : i32
    %dma_start3A_70 = arith.constant 0 : i32
    %dma_start3A_71 = tpu.memref_slice %arg6[%dma_start3A_69, %dma_start3A_70] : memref<100x128xf32, #tpu.memory_space<vmem_shared>> -> memref<100x128xf32, #tpu.memory_space<vmem_shared>>
    %dma_start3A_72 = tpu.memref_slice %arg8[%dma_start3A_63] : memref<8x!tpu.dma_semaphore, #tpu.memory_space<semaphore_mem>> -> memref<1x!tpu.dma_semaphore, #tpu.memory_space<semaphore_mem>>
    %dma_start3A_73 = tpu.memref_squeeze %dma_start3A_72 : memref<1x!tpu.dma_semaphore, #tpu.memory_space<semaphore_mem>> -> memref<!tpu.dma_semaphore, #tpu.memory_space<semaphore_mem>>
    tpu.enqueue_indirect_dma source(%dma_start3A_71 : memref<100x128xf32, #tpu.memory_space<vmem_shared>>) target(%dma_start3A_66 : memref<80x128xf32, #tpu.memory_space<vmem>>) offsets(%dma_start3A_68 : memref<80xi32, #tpu.memory_space<vmem>>) semaphore(%dma_start3A_73 : memref<!tpu.dma_semaphore, #tpu.memory_space<semaphore_mem>>)
    %dma_start3A_74 = arith.constant 6 : i32
    %dma_start3A_75 = arith.constant 480 : i32
    %dma_start3A_76 = arith.constant 0 : i32
    %dma_start3A_77 = tpu.memref_slice %arg7[%dma_start3A_75, %dma_start3A_76] : memref<640x128xf32, #tpu.memory_space<vmem>> -> memref<80x128xf32, #tpu.memory_space<vmem>>
    %dma_start3A_78 = arith.constant 480 : i32
    %dma_start3A_79 = tpu.memref_slice %arg5[%dma_start3A_78] : memref<3200xi32, #tpu.memory_space<vmem>> -> memref<80xi32, #tpu.memory_space<vmem>>
    %dma_start3A_80 = arith.constant 0 : i32
    %dma_start3A_81 = arith.constant 0 : i32
    %dma_start3A_82 = tpu.memref_slice %arg6[%dma_start3A_80, %dma_start3A_81] : memref<100x128xf32, #tpu.memory_space<vmem_shared>> -> memref<100x128xf32, #tpu.memory_space<vmem_shared>>
    %dma_start3A_83 = tpu.memref_slice %arg8[%dma_start3A_74] : memref<8x!tpu.dma_semaphore, #tpu.memory_space<semaphore_mem>> -> memref<1x!tpu.dma_semaphore, #tpu.memory_space<semaphore_mem>>
    %dma_start3A_84 = tpu.memref_squeeze %dma_start3A_83 : memref<1x!tpu.dma_semaphore, #tpu.memory_space<semaphore_mem>> -> memref<!tpu.dma_semaphore, #tpu.memory_space<semaphore_mem>>
    tpu.enqueue_indirect_dma source(%dma_start3A_82 : memref<100x128xf32, #tpu.memory_space<vmem_shared>>) target(%dma_start3A_77 : memref<80x128xf32, #tpu.memory_space<vmem>>) offsets(%dma_start3A_79 : memref<80xi32, #tpu.memory_space<vmem>>) semaphore(%dma_start3A_84 : memref<!tpu.dma_semaphore, #tpu.memory_space<semaphore_mem>>)
    %dma_start3A_85 = arith.constant 7 : i32
    %dma_start3A_86 = arith.constant 560 : i32
    %dma_start3A_87 = arith.constant 0 : i32
    %dma_start3A_88 = tpu.memref_slice %arg7[%dma_start3A_86, %dma_start3A_87] : memref<640x128xf32, #tpu.memory_space<vmem>> -> memref<80x128xf32, #tpu.memory_space<vmem>>
    %dma_start3A_89 = arith.constant 560 : i32
    %dma_start3A_90 = tpu.memref_slice %arg5[%dma_start3A_89] : memref<3200xi32, #tpu.memory_space<vmem>> -> memref<80xi32, #tpu.memory_space<vmem>>
    %dma_start3A_91 = arith.constant 0 : i32
    %dma_start3A_92 = arith.constant 0 : i32
    %dma_start3A_93 = tpu.memref_slice %arg6[%dma_start3A_91, %dma_start3A_92] : memref<100x128xf32, #tpu.memory_space<vmem_shared>> -> memref<100x128xf32, #tpu.memory_space<vmem_shared>>
    %dma_start3A_94 = tpu.memref_slice %arg8[%dma_start3A_85] : memref<8x!tpu.dma_semaphore, #tpu.memory_space<semaphore_mem>> -> memref<1x!tpu.dma_semaphore, #tpu.memory_space<semaphore_mem>>
    %dma_start3A_95 = tpu.memref_squeeze %dma_start3A_94 : memref<1x!tpu.dma_semaphore, #tpu.memory_space<semaphore_mem>> -> memref<!tpu.dma_semaphore, #tpu.memory_space<semaphore_mem>>
    tpu.enqueue_indirect_dma source(%dma_start3A_93 : memref<100x128xf32, #tpu.memory_space<vmem_shared>>) target(%dma_start3A_88 : memref<80x128xf32, #tpu.memory_space<vmem>>) offsets(%dma_start3A_90 : memref<80xi32, #tpu.memory_space<vmem>>) semaphore(%dma_start3A_95 : memref<!tpu.dma_semaphore, #tpu.memory_space<semaphore_mem>>)
    %scan3A = arith.constant 0 : i32
    %scan3A_96 = arith.constant 0 : i32
    %scan3A_97 = arith.constant 5 : i32
    %scan3A_98 = arith.addi %scan3A_96, %scan3A_97 : i32
    %scan3A_99 = arith.constant 1 : i32
    scf.for %scan3A_101 = %scan3A_96 to %scan3A_98 step %scan3A_99  : i32 {
      %mul3A_102 = arith.constant 8 : i32
      %mul3A_103 = arith.muli %scan3A_101, %mul3A_102 : i32
      %add3A_104 = arith.constant 0 : i32
      %add3A_105 = arith.addi %mul3A_103, %add3A_104 : i32
      %mul3A_106 = arith.constant 80 : i32
      %mul3A_107 = arith.muli %add3A_105, %mul3A_106 : i32
      %dma_wait3A_108 = arith.constant 0 : i32
      %dma_wait3A_109 = arith.constant 0 : i32
      %dma_wait3A_110 = arith.constant 0 : i32
      %dma_wait3A_111 = tpu.memref_slice %arg7[%dma_wait3A_109, %dma_wait3A_110] : memref<640x128xf32, #tpu.memory_space<vmem>> -> memref<80x128xf32, #tpu.memory_space<vmem>>
      %dma_wait3A_112 = tpu.memref_slice %arg5[%mul3A_107] : memref<3200xi32, #tpu.memory_space<vmem>> -> memref<80xi32, #tpu.memory_space<vmem>>
      %dma_wait3A_113 = arith.constant 0 : i32
      %dma_wait3A_114 = arith.constant 0 : i32
      %dma_wait3A_115 = tpu.memref_slice %arg6[%dma_wait3A_113, %dma_wait3A_114] : memref<100x128xf32, #tpu.memory_space<vmem_shared>> -> memref<100x128xf32, #tpu.memory_space<vmem_shared>>
      %dma_wait3A_116 = tpu.memref_slice %arg8[%dma_wait3A_108] : memref<8x!tpu.dma_semaphore, #tpu.memory_space<semaphore_mem>> -> memref<1x!tpu.dma_semaphore, #tpu.memory_space<semaphore_mem>>
      %dma_wait3A_117 = tpu.memref_squeeze %dma_wait3A_116 : memref<1x!tpu.dma_semaphore, #tpu.memory_space<semaphore_mem>> -> memref<!tpu.dma_semaphore, #tpu.memory_space<semaphore_mem>>
      tpu.wait_indirect_dma semaphore(%dma_wait3A_117 : memref<!tpu.dma_semaphore, #tpu.memory_space<semaphore_mem>>) src(%dma_wait3A_115 : memref<100x128xf32, #tpu.memory_space<vmem_shared>>) dst(%dma_wait3A_111 : memref<80x128xf32, #tpu.memory_space<vmem>>)
      %mul3A_118 = arith.constant 80 : i32
      %mul3A_119 = arith.muli %add3A_105, %mul3A_118 : i32
      %add3A_120 = arith.addi %min3A_3, %mul3A_119 : i32
      %dma_start3A_121 = arith.constant 0 : i32
      %dma_start3A_122 = arith.constant 0 : i32
      %dma_start3A_123 = arith.constant 0 : i32
      %dma_start3A_124 = tpu.memref_slice %arg7[%dma_start3A_122, %dma_start3A_123] : memref<640x128xf32, #tpu.memory_space<vmem>> -> memref<80x128xf32, #tpu.memory_space<vmem>>
      %dma_start3A_125 = arith.constant 0 : i32
      %dma_start3A_126 = tpu.memref_slice %arg4[%add3A_120, %dma_start3A_125] : memref<100000x128xf32, #tpu.memory_space<hbm>> -> memref<80x128xf32, #tpu.memory_space<hbm>>
      %dma_start3A_127 = tpu.memref_slice %arg9[%dma_start3A_121] : memref<8x!tpu.dma_semaphore, #tpu.memory_space<semaphore_mem>> -> memref<1x!tpu.dma_semaphore, #tpu.memory_space<semaphore_mem>>
      %dma_start3A_128 = tpu.memref_squeeze %dma_start3A_127 : memref<1x!tpu.dma_semaphore, #tpu.memory_space<semaphore_mem>> -> memref<!tpu.dma_semaphore, #tpu.memory_space<semaphore_mem>>
      %dma_start3A_129 = arith.constant 0 : i32
      %dma_start3A_130 = tpu.memref_slice %arg4[%add3A_120, %dma_start3A_129] : memref<100000x128xf32, #tpu.memory_space<hbm>> -> memref<80x128xf32, #tpu.memory_space<hbm>>
      %dma_start3A_131 = arith.constant 0 : i32
      %dma_start3A_132 = arith.constant 0 : i32
      %dma_start3A_133 = tpu.memref_slice %arg7[%dma_start3A_131, %dma_start3A_132] : memref<640x128xf32, #tpu.memory_space<vmem>> -> memref<80x128xf32, #tpu.memory_space<vmem>>
      tpu.enqueue_dma source(%dma_start3A_133 : memref<80x128xf32, #tpu.memory_space<vmem>>) target(%dma_start3A_130 : memref<80x128xf32, #tpu.memory_space<hbm>>) target_semaphore(%dma_start3A_128 : memref<!tpu.dma_semaphore, #tpu.memory_space<semaphore_mem>>)
      %mul3A_134 = arith.constant 8 : i32
      %mul3A_135 = arith.muli %scan3A_101, %mul3A_134 : i32
      %add3A_136 = arith.constant 1 : i32
      %add3A_137 = arith.addi %mul3A_135, %add3A_136 : i32
      %mul3A_138 = arith.constant 80 : i32
      %mul3A_139 = arith.muli %add3A_137, %mul3A_138 : i32
      %dma_wait3A_140 = arith.constant 1 : i32
      %dma_wait3A_141 = arith.constant 80 : i32
      %dma_wait3A_142 = arith.constant 0 : i32
      %dma_wait3A_143 = tpu.memref_slice %arg7[%dma_wait3A_141, %dma_wait3A_142] : memref<640x128xf32, #tpu.memory_space<vmem>> -> memref<80x128xf32, #tpu.memory_space<vmem>>
      %dma_wait3A_144 = tpu.memref_slice %arg5[%mul3A_139] : memref<3200xi32, #tpu.memory_space<vmem>> -> memref<80xi32, #tpu.memory_space<vmem>>
      %dma_wait3A_145 = arith.constant 0 : i32
      %dma_wait3A_146 = arith.constant 0 : i32
      %dma_wait3A_147 = tpu.memref_slice %arg6[%dma_wait3A_145, %dma_wait3A_146] : memref<100x128xf32, #tpu.memory_space<vmem_shared>> -> memref<100x128xf32, #tpu.memory_space<vmem_shared>>
      %dma_wait3A_148 = tpu.memref_slice %arg8[%dma_wait3A_140] : memref<8x!tpu.dma_semaphore, #tpu.memory_space<semaphore_mem>> -> memref<1x!tpu.dma_semaphore, #tpu.memory_space<semaphore_mem>>
      %dma_wait3A_149 = tpu.memref_squeeze %dma_wait3A_148 : memref<1x!tpu.dma_semaphore, #tpu.memory_space<semaphore_mem>> -> memref<!tpu.dma_semaphore, #tpu.memory_space<semaphore_mem>>
      tpu.wait_indirect_dma semaphore(%dma_wait3A_149 : memref<!tpu.dma_semaphore, #tpu.memory_space<semaphore_mem>>) src(%dma_wait3A_147 : memref<100x128xf32, #tpu.memory_space<vmem_shared>>) dst(%dma_wait3A_143 : memref<80x128xf32, #tpu.memory_space<vmem>>)
      %mul3A_150 = arith.constant 80 : i32
      %mul3A_151 = arith.muli %add3A_137, %mul3A_150 : i32
      %add3A_152 = arith.addi %min3A_3, %mul3A_151 : i32
      %dma_start3A_153 = arith.constant 1 : i32
      %dma_start3A_154 = arith.constant 80 : i32
      %dma_start3A_155 = arith.constant 0 : i32
      %dma_start3A_156 = tpu.memref_slice %arg7[%dma_start3A_154, %dma_start3A_155] : memref<640x128xf32, #tpu.memory_space<vmem>> -> memref<80x128xf32, #tpu.memory_space<vmem>>
      %dma_start3A_157 = arith.constant 0 : i32
      %dma_start3A_158 = tpu.memref_slice %arg4[%add3A_152, %dma_start3A_157] : memref<100000x128xf32, #tpu.memory_space<hbm>> -> memref<80x128xf32, #tpu.memory_space<hbm>>
      %dma_start3A_159 = tpu.memref_slice %arg9[%dma_start3A_153] : memref<8x!tpu.dma_semaphore, #tpu.memory_space<semaphore_mem>> -> memref<1x!tpu.dma_semaphore, #tpu.memory_space<semaphore_mem>>
      %dma_start3A_160 = tpu.memref_squeeze %dma_start3A_159 : memref<1x!tpu.dma_semaphore, #tpu.memory_space<semaphore_mem>> -> memref<!tpu.dma_semaphore, #tpu.memory_space<semaphore_mem>>
      %dma_start3A_161 = arith.constant 0 : i32
      %dma_start3A_162 = tpu.memref_slice %arg4[%add3A_152, %dma_start3A_161] : memref<100000x128xf32, #tpu.memory_space<hbm>> -> memref<80x128xf32, #tpu.memory_space<hbm>>
      %dma_start3A_163 = arith.constant 80 : i32
      %dma_start3A_164 = arith.constant 0 : i32
      %dma_start3A_165 = tpu.memref_slice %arg7[%dma_start3A_163, %dma_start3A_164] : memref<640x128xf32, #tpu.memory_space<vmem>> -> memref<80x128xf32, #tpu.memory_space<vmem>>
      tpu.enqueue_dma source(%dma_start3A_165 : memref<80x128xf32, #tpu.memory_space<vmem>>) target(%dma_start3A_162 : memref<80x128xf32, #tpu.memory_space<hbm>>) target_semaphore(%dma_start3A_160 : memref<!tpu.dma_semaphore, #tpu.memory_space<semaphore_mem>>)
      %mul3A_166 = arith.constant 8 : i32
      %mul3A_167 = arith.muli %scan3A_101, %mul3A_166 : i32
      %add3A_168 = arith.constant 2 : i32
      %add3A_169 = arith.addi %mul3A_167, %add3A_168 : i32
      %mul3A_170 = arith.constant 80 : i32
      %mul3A_171 = arith.muli %add3A_169, %mul3A_170 : i32
      %dma_wait3A_172 = arith.constant 2 : i32
      %dma_wait3A_173 = arith.constant 160 : i32
      %dma_wait3A_174 = arith.constant 0 : i32
      %dma_wait3A_175 = tpu.memref_slice %arg7[%dma_wait3A_173, %dma_wait3A_174] : memref<640x128xf32, #tpu.memory_space<vmem>> -> memref<80x128xf32, #tpu.memory_space<vmem>>
      %dma_wait3A_176 = tpu.memref_slice %arg5[%mul3A_171] : memref<3200xi32, #tpu.memory_space<vmem>> -> memref<80xi32, #tpu.memory_space<vmem>>
      %dma_wait3A_177 = arith.constant 0 : i32
      %dma_wait3A_178 = arith.constant 0 : i32
      %dma_wait3A_179 = tpu.memref_slice %arg6[%dma_wait3A_177, %dma_wait3A_178] : memref<100x128xf32, #tpu.memory_space<vmem_shared>> -> memref<100x128xf32, #tpu.memory_space<vmem_shared>>
      %dma_wait3A_180 = tpu.memref_slice %arg8[%dma_wait3A_172] : memref<8x!tpu.dma_semaphore, #tpu.memory_space<semaphore_mem>> -> memref<1x!tpu.dma_semaphore, #tpu.memory_space<semaphore_mem>>
      %dma_wait3A_181 = tpu.memref_squeeze %dma_wait3A_180 : memref<1x!tpu.dma_semaphore, #tpu.memory_space<semaphore_mem>> -> memref<!tpu.dma_semaphore, #tpu.memory_space<semaphore_mem>>
      tpu.wait_indirect_dma semaphore(%dma_wait3A_181 : memref<!tpu.dma_semaphore, #tpu.memory_space<semaphore_mem>>) src(%dma_wait3A_179 : memref<100x128xf32, #tpu.memory_space<vmem_shared>>) dst(%dma_wait3A_175 : memref<80x128xf32, #tpu.memory_space<vmem>>)
      %mul3A_182 = arith.constant 80 : i32
      %mul3A_183 = arith.muli %add3A_169, %mul3A_182 : i32
      %add3A_184 = arith.addi %min3A_3, %mul3A_183 : i32
      %dma_start3A_185 = arith.constant 2 : i32
      %dma_start3A_186 = arith.constant 160 : i32
      %dma_start3A_187 = arith.constant 0 : i32
      %dma_start3A_188 = tpu.memref_slice %arg7[%dma_start3A_186, %dma_start3A_187] : memref<640x128xf32, #tpu.memory_space<vmem>> -> memref<80x128xf32, #tpu.memory_space<vmem>>
      %dma_start3A_189 = arith.constant 0 : i32
      %dma_start3A_190 = tpu.memref_slice %arg4[%add3A_184, %dma_start3A_189] : memref<100000x128xf32, #tpu.memory_space<hbm>> -> memref<80x128xf32, #tpu.memory_space<hbm>>
      %dma_start3A_191 = tpu.memref_slice %arg9[%dma_start3A_185] : memref<8x!tpu.dma_semaphore, #tpu.memory_space<semaphore_mem>> -> memref<1x!tpu.dma_semaphore, #tpu.memory_space<semaphore_mem>>
      %dma_start3A_192 = tpu.memref_squeeze %dma_start3A_191 : memref<1x!tpu.dma_semaphore, #tpu.memory_space<semaphore_mem>> -> memref<!tpu.dma_semaphore, #tpu.memory_space<semaphore_mem>>
      %dma_start3A_193 = arith.constant 0 : i32
      %dma_start3A_194 = tpu.memref_slice %arg4[%add3A_184, %dma_start3A_193] : memref<100000x128xf32, #tpu.memory_space<hbm>> -> memref<80x128xf32, #tpu.memory_space<hbm>>
      %dma_start3A_195 = arith.constant 160 : i32
      %dma_start3A_196 = arith.constant 0 : i32
      %dma_start3A_197 = tpu.memref_slice %arg7[%dma_start3A_195, %dma_start3A_196] : memref<640x128xf32, #tpu.memory_space<vmem>> -> memref<80x128xf32, #tpu.memory_space<vmem>>
      tpu.enqueue_dma source(%dma_start3A_197 : memref<80x128xf32, #tpu.memory_space<vmem>>) target(%dma_start3A_194 : memref<80x128xf32, #tpu.memory_space<hbm>>) target_semaphore(%dma_start3A_192 : memref<!tpu.dma_semaphore, #tpu.memory_space<semaphore_mem>>)
      %mul3A_198 = arith.constant 8 : i32
      %mul3A_199 = arith.muli %scan3A_101, %mul3A_198 : i32
      %add3A_200 = arith.constant 3 : i32
      %add3A_201 = arith.addi %mul3A_199, %add3A_200 : i32
      %mul3A_202 = arith.constant 80 : i32
      %mul3A_203 = arith.muli %add3A_201, %mul3A_202 : i32
      %dma_wait3A_204 = arith.constant 3 : i32
      %dma_wait3A_205 = arith.constant 240 : i32
      %dma_wait3A_206 = arith.constant 0 : i32
      %dma_wait3A_207 = tpu.memref_slice %arg7[%dma_wait3A_205, %dma_wait3A_206] : memref<640x128xf32, #tpu.memory_space<vmem>> -> memref<80x128xf32, #tpu.memory_space<vmem>>
      %dma_wait3A_208 = tpu.memref_slice %arg5[%mul3A_203] : memref<3200xi32, #tpu.memory_space<vmem>> -> memref<80xi32, #tpu.memory_space<vmem>>
      %dma_wait3A_209 = arith.constant 0 : i32
      %dma_wait3A_210 = arith.constant 0 : i32
      %dma_wait3A_211 = tpu.memref_slice %arg6[%dma_wait3A_209, %dma_wait3A_210] : memref<100x128xf32, #tpu.memory_space<vmem_shared>> -> memref<100x128xf32, #tpu.memory_space<vmem_shared>>
      %dma_wait3A_212 = tpu.memref_slice %arg8[%dma_wait3A_204] : memref<8x!tpu.dma_semaphore, #tpu.memory_space<semaphore_mem>> -> memref<1x!tpu.dma_semaphore, #tpu.memory_space<semaphore_mem>>
      %dma_wait3A_213 = tpu.memref_squeeze %dma_wait3A_212 : memref<1x!tpu.dma_semaphore, #tpu.memory_space<semaphore_mem>> -> memref<!tpu.dma_semaphore, #tpu.memory_space<semaphore_mem>>
      tpu.wait_indirect_dma semaphore(%dma_wait3A_213 : memref<!tpu.dma_semaphore, #tpu.memory_space<semaphore_mem>>) src(%dma_wait3A_211 : memref<100x128xf32, #tpu.memory_space<vmem_shared>>) dst(%dma_wait3A_207 : memref<80x128xf32, #tpu.memory_space<vmem>>)
      %mul3A_214 = arith.constant 80 : i32
      %mul3A_215 = arith.muli %add3A_201, %mul3A_214 : i32
      %add3A_216 = arith.addi %min3A_3, %mul3A_215 : i32
      %dma_start3A_217 = arith.constant 3 : i32
      %dma_start3A_218 = arith.constant 240 : i32
      %dma_start3A_219 = arith.constant 0 : i32
      %dma_start3A_220 = tpu.memref_slice %arg7[%dma_start3A_218, %dma_start3A_219] : memref<640x128xf32, #tpu.memory_space<vmem>> -> memref<80x128xf32, #tpu.memory_space<vmem>>
      %dma_start3A_221 = arith.constant 0 : i32
      %dma_start3A_222 = tpu.memref_slice %arg4[%add3A_216, %dma_start3A_221] : memref<100000x128xf32, #tpu.memory_space<hbm>> -> memref<80x128xf32, #tpu.memory_space<hbm>>
      %dma_start3A_223 = tpu.memref_slice %arg9[%dma_start3A_217] : memref<8x!tpu.dma_semaphore, #tpu.memory_space<semaphore_mem>> -> memref<1x!tpu.dma_semaphore, #tpu.memory_space<semaphore_mem>>
      %dma_start3A_224 = tpu.memref_squeeze %dma_start3A_223 : memref<1x!tpu.dma_semaphore, #tpu.memory_space<semaphore_mem>> -> memref<!tpu.dma_semaphore, #tpu.memory_space<semaphore_mem>>
      %dma_start3A_225 = arith.constant 0 : i32
      %dma_start3A_226 = tpu.memref_slice %arg4[%add3A_216, %dma_start3A_225] : memref<100000x128xf32, #tpu.memory_space<hbm>> -> memref<80x128xf32, #tpu.memory_space<hbm>>
      %dma_start3A_227 = arith.constant 240 : i32
      %dma_start3A_228 = arith.constant 0 : i32
      %dma_start3A_229 = tpu.memref_slice %arg7[%dma_start3A_227, %dma_start3A_228] : memref<640x128xf32, #tpu.memory_space<vmem>> -> memref<80x128xf32, #tpu.memory_space<vmem>>
      tpu.enqueue_dma source(%dma_start3A_229 : memref<80x128xf32, #tpu.memory_space<vmem>>) target(%dma_start3A_226 : memref<80x128xf32, #tpu.memory_space<hbm>>) target_semaphore(%dma_start3A_224 : memref<!tpu.dma_semaphore, #tpu.memory_space<semaphore_mem>>)
      %mul3A_230 = arith.constant 8 : i32
      %mul3A_231 = arith.muli %scan3A_101, %mul3A_230 : i32
      %add3A_232 = arith.constant 4 : i32
      %add3A_233 = arith.addi %mul3A_231, %add3A_232 : i32
      %mul3A_234 = arith.constant 80 : i32
      %mul3A_235 = arith.muli %add3A_233, %mul3A_234 : i32
      %dma_wait3A_236 = arith.constant 4 : i32
      %dma_wait3A_237 = arith.constant 320 : i32
      %dma_wait3A_238 = arith.constant 0 : i32
      %dma_wait3A_239 = tpu.memref_slice %arg7[%dma_wait3A_237, %dma_wait3A_238] : memref<640x128xf32, #tpu.memory_space<vmem>> -> memref<80x128xf32, #tpu.memory_space<vmem>>
      %dma_wait3A_240 = tpu.memref_slice %arg5[%mul3A_235] : memref<3200xi32, #tpu.memory_space<vmem>> -> memref<80xi32, #tpu.memory_space<vmem>>
      %dma_wait3A_241 = arith.constant 0 : i32
      %dma_wait3A_242 = arith.constant 0 : i32
      %dma_wait3A_243 = tpu.memref_slice %arg6[%dma_wait3A_241, %dma_wait3A_242] : memref<100x128xf32, #tpu.memory_space<vmem_shared>> -> memref<100x128xf32, #tpu.memory_space<vmem_shared>>
      %dma_wait3A_244 = tpu.memref_slice %arg8[%dma_wait3A_236] : memref<8x!tpu.dma_semaphore, #tpu.memory_space<semaphore_mem>> -> memref<1x!tpu.dma_semaphore, #tpu.memory_space<semaphore_mem>>
      %dma_wait3A_245 = tpu.memref_squeeze %dma_wait3A_244 : memref<1x!tpu.dma_semaphore, #tpu.memory_space<semaphore_mem>> -> memref<!tpu.dma_semaphore, #tpu.memory_space<semaphore_mem>>
      tpu.wait_indirect_dma semaphore(%dma_wait3A_245 : memref<!tpu.dma_semaphore, #tpu.memory_space<semaphore_mem>>) src(%dma_wait3A_243 : memref<100x128xf32, #tpu.memory_space<vmem_shared>>) dst(%dma_wait3A_239 : memref<80x128xf32, #tpu.memory_space<vmem>>)
      %mul3A_246 = arith.constant 80 : i32
      %mul3A_247 = arith.muli %add3A_233, %mul3A_246 : i32
      %add3A_248 = arith.addi %min3A_3, %mul3A_247 : i32
      %dma_start3A_249 = arith.constant 4 : i32
      %dma_start3A_250 = arith.constant 320 : i32
      %dma_start3A_251 = arith.constant 0 : i32
      %dma_start3A_252 = tpu.memref_slice %arg7[%dma_start3A_250, %dma_start3A_251] : memref<640x128xf32, #tpu.memory_space<vmem>> -> memref<80x128xf32, #tpu.memory_space<vmem>>
      %dma_start3A_253 = arith.constant 0 : i32
      %dma_start3A_254 = tpu.memref_slice %arg4[%add3A_248, %dma_start3A_253] : memref<100000x128xf32, #tpu.memory_space<hbm>> -> memref<80x128xf32, #tpu.memory_space<hbm>>
      %dma_start3A_255 = tpu.memref_slice %arg9[%dma_start3A_249] : memref<8x!tpu.dma_semaphore, #tpu.memory_space<semaphore_mem>> -> memref<1x!tpu.dma_semaphore, #tpu.memory_space<semaphore_mem>>
      %dma_start3A_256 = tpu.memref_squeeze %dma_start3A_255 : memref<1x!tpu.dma_semaphore, #tpu.memory_space<semaphore_mem>> -> memref<!tpu.dma_semaphore, #tpu.memory_space<semaphore_mem>>
      %dma_start3A_257 = arith.constant 0 : i32
      %dma_start3A_258 = tpu.memref_slice %arg4[%add3A_248, %dma_start3A_257] : memref<100000x128xf32, #tpu.memory_space<hbm>> -> memref<80x128xf32, #tpu.memory_space<hbm>>
      %dma_start3A_259 = arith.constant 320 : i32
      %dma_start3A_260 = arith.constant 0 : i32
      %dma_start3A_261 = tpu.memref_slice %arg7[%dma_start3A_259, %dma_start3A_260] : memref<640x128xf32, #tpu.memory_space<vmem>> -> memref<80x128xf32, #tpu.memory_space<vmem>>
      tpu.enqueue_dma source(%dma_start3A_261 : memref<80x128xf32, #tpu.memory_space<vmem>>) target(%dma_start3A_258 : memref<80x128xf32, #tpu.memory_space<hbm>>) target_semaphore(%dma_start3A_256 : memref<!tpu.dma_semaphore, #tpu.memory_space<semaphore_mem>>)
      %mul3A_262 = arith.constant 8 : i32
      %mul3A_263 = arith.muli %scan3A_101, %mul3A_262 : i32
      %add3A_264 = arith.constant 5 : i32
      %add3A_265 = arith.addi %mul3A_263, %add3A_264 : i32
      %mul3A_266 = arith.constant 80 : i32
      %mul3A_267 = arith.muli %add3A_265, %mul3A_266 : i32
      %dma_wait3A_268 = arith.constant 5 : i32
      %dma_wait3A_269 = arith.constant 400 : i32
      %dma_wait3A_270 = arith.constant 0 : i32
      %dma_wait3A_271 = tpu.memref_slice %arg7[%dma_wait3A_269, %dma_wait3A_270] : memref<640x128xf32, #tpu.memory_space<vmem>> -> memref<80x128xf32, #tpu.memory_space<vmem>>
      %dma_wait3A_272 = tpu.memref_slice %arg5[%mul3A_267] : memref<3200xi32, #tpu.memory_space<vmem>> -> memref<80xi32, #tpu.memory_space<vmem>>
      %dma_wait3A_273 = arith.constant 0 : i32
      %dma_wait3A_274 = arith.constant 0 : i32
      %dma_wait3A_275 = tpu.memref_slice %arg6[%dma_wait3A_273, %dma_wait3A_274] : memref<100x128xf32, #tpu.memory_space<vmem_shared>> -> memref<100x128xf32, #tpu.memory_space<vmem_shared>>
      %dma_wait3A_276 = tpu.memref_slice %arg8[%dma_wait3A_268] : memref<8x!tpu.dma_semaphore, #tpu.memory_space<semaphore_mem>> -> memref<1x!tpu.dma_semaphore, #tpu.memory_space<semaphore_mem>>
      %dma_wait3A_277 = tpu.memref_squeeze %dma_wait3A_276 : memref<1x!tpu.dma_semaphore, #tpu.memory_space<semaphore_mem>> -> memref<!tpu.dma_semaphore, #tpu.memory_space<semaphore_mem>>
      tpu.wait_indirect_dma semaphore(%dma_wait3A_277 : memref<!tpu.dma_semaphore, #tpu.memory_space<semaphore_mem>>) src(%dma_wait3A_275 : memref<100x128xf32, #tpu.memory_space<vmem_shared>>) dst(%dma_wait3A_271 : memref<80x128xf32, #tpu.memory_space<vmem>>)
      %mul3A_278 = arith.constant 80 : i32
      %mul3A_279 = arith.muli %add3A_265, %mul3A_278 : i32
      %add3A_280 = arith.addi %min3A_3, %mul3A_279 : i32
      %dma_start3A_281 = arith.constant 5 : i32
      %dma_start3A_282 = arith.constant 400 : i32
      %dma_start3A_283 = arith.constant 0 : i32
      %dma_start3A_284 = tpu.memref_slice %arg7[%dma_start3A_282, %dma_start3A_283] : memref<640x128xf32, #tpu.memory_space<vmem>> -> memref<80x128xf32, #tpu.memory_space<vmem>>
      %dma_start3A_285 = arith.constant 0 : i32
      %dma_start3A_286 = tpu.memref_slice %arg4[%add3A_280, %dma_start3A_285] : memref<100000x128xf32, #tpu.memory_space<hbm>> -> memref<80x128xf32, #tpu.memory_space<hbm>>
      %dma_start3A_287 = tpu.memref_slice %arg9[%dma_start3A_281] : memref<8x!tpu.dma_semaphore, #tpu.memory_space<semaphore_mem>> -> memref<1x!tpu.dma_semaphore, #tpu.memory_space<semaphore_mem>>
      %dma_start3A_288 = tpu.memref_squeeze %dma_start3A_287 : memref<1x!tpu.dma_semaphore, #tpu.memory_space<semaphore_mem>> -> memref<!tpu.dma_semaphore, #tpu.memory_space<semaphore_mem>>
      %dma_start3A_289 = arith.constant 0 : i32
      %dma_start3A_290 = tpu.memref_slice %arg4[%add3A_280, %dma_start3A_289] : memref<100000x128xf32, #tpu.memory_space<hbm>> -> memref<80x128xf32, #tpu.memory_space<hbm>>
      %dma_start3A_291 = arith.constant 400 : i32
      %dma_start3A_292 = arith.constant 0 : i32
      %dma_start3A_293 = tpu.memref_slice %arg7[%dma_start3A_291, %dma_start3A_292] : memref<640x128xf32, #tpu.memory_space<vmem>> -> memref<80x128xf32, #tpu.memory_space<vmem>>
      tpu.enqueue_dma source(%dma_start3A_293 : memref<80x128xf32, #tpu.memory_space<vmem>>) target(%dma_start3A_290 : memref<80x128xf32, #tpu.memory_space<hbm>>) target_semaphore(%dma_start3A_288 : memref<!tpu.dma_semaphore, #tpu.memory_space<semaphore_mem>>)
      %mul3A_294 = arith.constant 8 : i32
      %mul3A_295 = arith.muli %scan3A_101, %mul3A_294 : i32
      %add3A_296 = arith.constant 6 : i32
      %add3A_297 = arith.addi %mul3A_295, %add3A_296 : i32
      %mul3A_298 = arith.constant 80 : i32
      %mul3A_299 = arith.muli %add3A_297, %mul3A_298 : i32
      %dma_wait3A_300 = arith.constant 6 : i32
      %dma_wait3A_301 = arith.constant 480 : i32
      %dma_wait3A_302 = arith.constant 0 : i32
      %dma_wait3A_303 = tpu.memref_slice %arg7[%dma_wait3A_301, %dma_wait3A_302] : memref<640x128xf32, #tpu.memory_space<vmem>> -> memref<80x128xf32, #tpu.memory_space<vmem>>
      %dma_wait3A_304 = tpu.memref_slice %arg5[%mul3A_299] : memref<3200xi32, #tpu.memory_space<vmem>> -> memref<80xi32, #tpu.memory_space<vmem>>
      %dma_wait3A_305 = arith.constant 0 : i32
      %dma_wait3A_306 = arith.constant 0 : i32
      %dma_wait3A_307 = tpu.memref_slice %arg6[%dma_wait3A_305, %dma_wait3A_306] : memref<100x128xf32, #tpu.memory_space<vmem_shared>> -> memref<100x128xf32, #tpu.memory_space<vmem_shared>>
      %dma_wait3A_308 = tpu.memref_slice %arg8[%dma_wait3A_300] : memref<8x!tpu.dma_semaphore, #tpu.memory_space<semaphore_mem>> -> memref<1x!tpu.dma_semaphore, #tpu.memory_space<semaphore_mem>>
      %dma_wait3A_309 = tpu.memref_squeeze %dma_wait3A_308 : memref<1x!tpu.dma_semaphore, #tpu.memory_space<semaphore_mem>> -> memref<!tpu.dma_semaphore, #tpu.memory_space<semaphore_mem>>
      tpu.wait_indirect_dma semaphore(%dma_wait3A_309 : memref<!tpu.dma_semaphore, #tpu.memory_space<semaphore_mem>>) src(%dma_wait3A_307 : memref<100x128xf32, #tpu.memory_space<vmem_shared>>) dst(%dma_wait3A_303 : memref<80x128xf32, #tpu.memory_space<vmem>>)
      %mul3A_310 = arith.constant 80 : i32
      %mul3A_311 = arith.muli %add3A_297, %mul3A_310 : i32
      %add3A_312 = arith.addi %min3A_3, %mul3A_311 : i32
      %dma_start3A_313 = arith.constant 6 : i32
      %dma_start3A_314 = arith.constant 480 : i32
      %dma_start3A_315 = arith.constant 0 : i32
      %dma_start3A_316 = tpu.memref_slice %arg7[%dma_start3A_314, %dma_start3A_315] : memref<640x128xf32, #tpu.memory_space<vmem>> -> memref<80x128xf32, #tpu.memory_space<vmem>>
      %dma_start3A_317 = arith.constant 0 : i32
      %dma_start3A_318 = tpu.memref_slice %arg4[%add3A_312, %dma_start3A_317] : memref<100000x128xf32, #tpu.memory_space<hbm>> -> memref<80x128xf32, #tpu.memory_space<hbm>>
      %dma_start3A_319 = tpu.memref_slice %arg9[%dma_start3A_313] : memref<8x!tpu.dma_semaphore, #tpu.memory_space<semaphore_mem>> -> memref<1x!tpu.dma_semaphore, #tpu.memory_space<semaphore_mem>>
      %dma_start3A_320 = tpu.memref_squeeze %dma_start3A_319 : memref<1x!tpu.dma_semaphore, #tpu.memory_space<semaphore_mem>> -> memref<!tpu.dma_semaphore, #tpu.memory_space<semaphore_mem>>
      %dma_start3A_321 = arith.constant 0 : i32
      %dma_start3A_322 = tpu.memref_slice %arg4[%add3A_312, %dma_start3A_321] : memref<100000x128xf32, #tpu.memory_space<hbm>> -> memref<80x128xf32, #tpu.memory_space<hbm>>
      %dma_start3A_323 = arith.constant 480 : i32
      %dma_start3A_324 = arith.constant 0 : i32
      %dma_start3A_325 = tpu.memref_slice %arg7[%dma_start3A_323, %dma_start3A_324] : memref<640x128xf32, #tpu.memory_space<vmem>> -> memref<80x128xf32, #tpu.memory_space<vmem>>
      tpu.enqueue_dma source(%dma_start3A_325 : memref<80x128xf32, #tpu.memory_space<vmem>>) target(%dma_start3A_322 : memref<80x128xf32, #tpu.memory_space<hbm>>) target_semaphore(%dma_start3A_320 : memref<!tpu.dma_semaphore, #tpu.memory_space<semaphore_mem>>)
      %mul3A_326 = arith.constant 8 : i32
      %mul3A_327 = arith.muli %scan3A_101, %mul3A_326 : i32
      %add3A_328 = arith.constant 7 : i32
      %add3A_329 = arith.addi %mul3A_327, %add3A_328 : i32
      %mul3A_330 = arith.constant 80 : i32
      %mul3A_331 = arith.muli %add3A_329, %mul3A_330 : i32
      %dma_wait3A_332 = arith.constant 7 : i32
      %dma_wait3A_333 = arith.constant 560 : i32
      %dma_wait3A_334 = arith.constant 0 : i32
      %dma_wait3A_335 = tpu.memref_slice %arg7[%dma_wait3A_333, %dma_wait3A_334] : memref<640x128xf32, #tpu.memory_space<vmem>> -> memref<80x128xf32, #tpu.memory_space<vmem>>
      %dma_wait3A_336 = tpu.memref_slice %arg5[%mul3A_331] : memref<3200xi32, #tpu.memory_space<vmem>> -> memref<80xi32, #tpu.memory_space<vmem>>
      %dma_wait3A_337 = arith.constant 0 : i32
      %dma_wait3A_338 = arith.constant 0 : i32
      %dma_wait3A_339 = tpu.memref_slice %arg6[%dma_wait3A_337, %dma_wait3A_338] : memref<100x128xf32, #tpu.memory_space<vmem_shared>> -> memref<100x128xf32, #tpu.memory_space<vmem_shared>>
      %dma_wait3A_340 = tpu.memref_slice %arg8[%dma_wait3A_332] : memref<8x!tpu.dma_semaphore, #tpu.memory_space<semaphore_mem>> -> memref<1x!tpu.dma_semaphore, #tpu.memory_space<semaphore_mem>>
      %dma_wait3A_341 = tpu.memref_squeeze %dma_wait3A_340 : memref<1x!tpu.dma_semaphore, #tpu.memory_space<semaphore_mem>> -> memref<!tpu.dma_semaphore, #tpu.memory_space<semaphore_mem>>
      tpu.wait_indirect_dma semaphore(%dma_wait3A_341 : memref<!tpu.dma_semaphore, #tpu.memory_space<semaphore_mem>>) src(%dma_wait3A_339 : memref<100x128xf32, #tpu.memory_space<vmem_shared>>) dst(%dma_wait3A_335 : memref<80x128xf32, #tpu.memory_space<vmem>>)
      %mul3A_342 = arith.constant 80 : i32
      %mul3A_343 = arith.muli %add3A_329, %mul3A_342 : i32
      %add3A_344 = arith.addi %min3A_3, %mul3A_343 : i32
      %dma_start3A_345 = arith.constant 7 : i32
      %dma_start3A_346 = arith.constant 560 : i32
      %dma_start3A_347 = arith.constant 0 : i32
      %dma_start3A_348 = tpu.memref_slice %arg7[%dma_start3A_346, %dma_start3A_347] : memref<640x128xf32, #tpu.memory_space<vmem>> -> memref<80x128xf32, #tpu.memory_space<vmem>>
      %dma_start3A_349 = arith.constant 0 : i32
      %dma_start3A_350 = tpu.memref_slice %arg4[%add3A_344, %dma_start3A_349] : memref<100000x128xf32, #tpu.memory_space<hbm>> -> memref<80x128xf32, #tpu.memory_space<hbm>>
      %dma_start3A_351 = tpu.memref_slice %arg9[%dma_start3A_345] : memref<8x!tpu.dma_semaphore, #tpu.memory_space<semaphore_mem>> -> memref<1x!tpu.dma_semaphore, #tpu.memory_space<semaphore_mem>>
      %dma_start3A_352 = tpu.memref_squeeze %dma_start3A_351 : memref<1x!tpu.dma_semaphore, #tpu.memory_space<semaphore_mem>> -> memref<!tpu.dma_semaphore, #tpu.memory_space<semaphore_mem>>
      %dma_start3A_353 = arith.constant 0 : i32
      %dma_start3A_354 = tpu.memref_slice %arg4[%add3A_344, %dma_start3A_353] : memref<100000x128xf32, #tpu.memory_space<hbm>> -> memref<80x128xf32, #tpu.memory_space<hbm>>
      %dma_start3A_355 = arith.constant 560 : i32
      %dma_start3A_356 = arith.constant 0 : i32
      %dma_start3A_357 = tpu.memref_slice %arg7[%dma_start3A_355, %dma_start3A_356] : memref<640x128xf32, #tpu.memory_space<vmem>> -> memref<80x128xf32, #tpu.memory_space<vmem>>
      tpu.enqueue_dma source(%dma_start3A_357 : memref<80x128xf32, #tpu.memory_space<vmem>>) target(%dma_start3A_354 : memref<80x128xf32, #tpu.memory_space<hbm>>) target_semaphore(%dma_start3A_352 : memref<!tpu.dma_semaphore, #tpu.memory_space<semaphore_mem>>)
      %mul3A_358 = arith.constant 8 : i32
      %mul3A_359 = arith.muli %scan3A_101, %mul3A_358 : i32
      %add3A_360 = arith.constant 0 : i32
      %add3A_361 = arith.addi %mul3A_359, %add3A_360 : i32
      %mul3A_362 = arith.constant 80 : i32
      %mul3A_363 = arith.muli %add3A_361, %mul3A_362 : i32
      %add3A_364 = arith.addi %min3A_3, %mul3A_363 : i32
      %dma_wait3A_365 = arith.constant 0 : i32
      %dma_wait3A_366 = arith.constant 0 : i32
      %dma_wait3A_367 = arith.constant 0 : i32
      %dma_wait3A_368 = tpu.memref_slice %arg7[%dma_wait3A_366, %dma_wait3A_367] : memref<640x128xf32, #tpu.memory_space<vmem>> -> memref<80x128xf32, #tpu.memory_space<vmem>>
      %dma_wait3A_369 = arith.constant 0 : i32
      %dma_wait3A_370 = tpu.memref_slice %arg4[%add3A_364, %dma_wait3A_369] : memref<100000x128xf32, #tpu.memory_space<hbm>> -> memref<80x128xf32, #tpu.memory_space<hbm>>
      %dma_wait3A_371 = tpu.memref_slice %arg9[%dma_wait3A_365] : memref<8x!tpu.dma_semaphore, #tpu.memory_space<semaphore_mem>> -> memref<1x!tpu.dma_semaphore, #tpu.memory_space<semaphore_mem>>
      %dma_wait3A_372 = tpu.memref_squeeze %dma_wait3A_371 : memref<1x!tpu.dma_semaphore, #tpu.memory_space<semaphore_mem>> -> memref<!tpu.dma_semaphore, #tpu.memory_space<semaphore_mem>>
      %dma_wait3A_373 = arith.constant 0 : i32
      %dma_wait3A_374 = tpu.memref_slice %arg4[%add3A_364, %dma_wait3A_373] : memref<100000x128xf32, #tpu.memory_space<hbm>> -> memref<80x128xf32, #tpu.memory_space<hbm>>
      %dma_wait3A_375 = arith.constant 0 : i32
      %dma_wait3A_376 = arith.constant 0 : i32
      %dma_wait3A_377 = tpu.memref_slice %arg7[%dma_wait3A_375, %dma_wait3A_376] : memref<640x128xf32, #tpu.memory_space<vmem>> -> memref<80x128xf32, #tpu.memory_space<vmem>>
      tpu.wait_dma2 semaphore(%dma_wait3A_372 : memref<!tpu.dma_semaphore, #tpu.memory_space<semaphore_mem>>) src(%dma_wait3A_377 : memref<80x128xf32, #tpu.memory_space<vmem>>) dst(%dma_wait3A_374 : memref<80x128xf32, #tpu.memory_space<hbm>>)
      %add3A_378 = arith.constant 8 : i32
      %add3A_379 = arith.addi %add3A_361, %add3A_378 : i32
      %lt3A = arith.constant 40 : i32
      %lt3A_380 = arith.cmpi slt, %add3A_379, %lt3A : i32
      %convert_element_type3A_381 = arith.extui %lt3A_380 : i1 to i32
      %cond3A_382 = arith.constant 0 : i32
      %cond3A_383 = arith.cmpi ne, %convert_element_type3A_381, %cond3A_382 : i32
      scf.if %cond3A_383 {
        %add3A_573 = arith.constant 8 : i32
        %add3A_574 = arith.addi %add3A_361, %add3A_573 : i32
        %mul3A_575 = arith.constant 80 : i32
        %mul3A_576 = arith.muli %add3A_574, %mul3A_575 : i32
        %dma_start3A_577 = arith.constant 0 : i32
        %dma_start3A_578 = arith.constant 0 : i32
        %dma_start3A_579 = arith.constant 0 : i32
        %dma_start3A_580 = tpu.memref_slice %arg7[%dma_start3A_578, %dma_start3A_579] : memref<640x128xf32, #tpu.memory_space<vmem>> -> memref<80x128xf32, #tpu.memory_space<vmem>>
        %dma_start3A_581 = tpu.memref_slice %arg5[%mul3A_576] : memref<3200xi32, #tpu.memory_space<vmem>> -> memref<80xi32, #tpu.memory_space<vmem>>
        %dma_start3A_582 = arith.constant 0 : i32
        %dma_start3A_583 = arith.constant 0 : i32
        %dma_start3A_584 = tpu.memref_slice %arg6[%dma_start3A_582, %dma_start3A_583] : memref<100x128xf32, #tpu.memory_space<vmem_shared>> -> memref<100x128xf32, #tpu.memory_space<vmem_shared>>
        %dma_start3A_585 = tpu.memref_slice %arg8[%dma_start3A_577] : memref<8x!tpu.dma_semaphore, #tpu.memory_space<semaphore_mem>> -> memref<1x!tpu.dma_semaphore, #tpu.memory_space<semaphore_mem>>
        %dma_start3A_586 = tpu.memref_squeeze %dma_start3A_585 : memref<1x!tpu.dma_semaphore, #tpu.memory_space<semaphore_mem>> -> memref<!tpu.dma_semaphore, #tpu.memory_space<semaphore_mem>>
        tpu.enqueue_indirect_dma source(%dma_start3A_584 : memref<100x128xf32, #tpu.memory_space<vmem_shared>>) target(%dma_start3A_580 : memref<80x128xf32, #tpu.memory_space<vmem>>) offsets(%dma_start3A_581 : memref<80xi32, #tpu.memory_space<vmem>>) semaphore(%dma_start3A_586 : memref<!tpu.dma_semaphore, #tpu.memory_space<semaphore_mem>>)
      } else {
      }
      %mul3A_384 = arith.constant 8 : i32
      %mul3A_385 = arith.muli %scan3A_101, %mul3A_384 : i32
      %add3A_386 = arith.constant 1 : i32
      %add3A_387 = arith.addi %mul3A_385, %add3A_386 : i32
      %mul3A_388 = arith.constant 80 : i32
      %mul3A_389 = arith.muli %add3A_387, %mul3A_388 : i32
      %add3A_390 = arith.addi %min3A_3, %mul3A_389 : i32
      %dma_wait3A_391 = arith.constant 1 : i32
      %dma_wait3A_392 = arith.constant 80 : i32
      %dma_wait3A_393 = arith.constant 0 : i32
      %dma_wait3A_394 = tpu.memref_slice %arg7[%dma_wait3A_392, %dma_wait3A_393] : memref<640x128xf32, #tpu.memory_space<vmem>> -> memref<80x128xf32, #tpu.memory_space<vmem>>
      %dma_wait3A_395 = arith.constant 0 : i32
      %dma_wait3A_396 = tpu.memref_slice %arg4[%add3A_390, %dma_wait3A_395] : memref<100000x128xf32, #tpu.memory_space<hbm>> -> memref<80x128xf32, #tpu.memory_space<hbm>>
      %dma_wait3A_397 = tpu.memref_slice %arg9[%dma_wait3A_391] : memref<8x!tpu.dma_semaphore, #tpu.memory_space<semaphore_mem>> -> memref<1x!tpu.dma_semaphore, #tpu.memory_space<semaphore_mem>>
      %dma_wait3A_398 = tpu.memref_squeeze %dma_wait3A_397 : memref<1x!tpu.dma_semaphore, #tpu.memory_space<semaphore_mem>> -> memref<!tpu.dma_semaphore, #tpu.memory_space<semaphore_mem>>
      %dma_wait3A_399 = arith.constant 0 : i32
      %dma_wait3A_400 = tpu.memref_slice %arg4[%add3A_390, %dma_wait3A_399] : memref<100000x128xf32, #tpu.memory_space<hbm>> -> memref<80x128xf32, #tpu.memory_space<hbm>>
      %dma_wait3A_401 = arith.constant 80 : i32
      %dma_wait3A_402 = arith.constant 0 : i32
      %dma_wait3A_403 = tpu.memref_slice %arg7[%dma_wait3A_401, %dma_wait3A_402] : memref<640x128xf32, #tpu.memory_space<vmem>> -> memref<80x128xf32, #tpu.memory_space<vmem>>
      tpu.wait_dma2 semaphore(%dma_wait3A_398 : memref<!tpu.dma_semaphore, #tpu.memory_space<semaphore_mem>>) src(%dma_wait3A_403 : memref<80x128xf32, #tpu.memory_space<vmem>>) dst(%dma_wait3A_400 : memref<80x128xf32, #tpu.memory_space<hbm>>)
      %add3A_404 = arith.constant 8 : i32
      %add3A_405 = arith.addi %add3A_387, %add3A_404 : i32
      %lt3A_406 = arith.constant 40 : i32
      %lt3A_407 = arith.cmpi slt, %add3A_405, %lt3A_406 : i32
      %convert_element_type3A_408 = arith.extui %lt3A_407 : i1 to i32
      %cond3A_409 = arith.constant 0 : i32
      %cond3A_410 = arith.cmpi ne, %convert_element_type3A_408, %cond3A_409 : i32
      scf.if %cond3A_410 {
        %add3A_573 = arith.constant 8 : i32
        %add3A_574 = arith.addi %add3A_387, %add3A_573 : i32
        %mul3A_575 = arith.constant 80 : i32
        %mul3A_576 = arith.muli %add3A_574, %mul3A_575 : i32
        %dma_start3A_577 = arith.constant 1 : i32
        %dma_start3A_578 = arith.constant 80 : i32
        %dma_start3A_579 = arith.constant 0 : i32
        %dma_start3A_580 = tpu.memref_slice %arg7[%dma_start3A_578, %dma_start3A_579] : memref<640x128xf32, #tpu.memory_space<vmem>> -> memref<80x128xf32, #tpu.memory_space<vmem>>
        %dma_start3A_581 = tpu.memref_slice %arg5[%mul3A_576] : memref<3200xi32, #tpu.memory_space<vmem>> -> memref<80xi32, #tpu.memory_space<vmem>>
        %dma_start3A_582 = arith.constant 0 : i32
        %dma_start3A_583 = arith.constant 0 : i32
        %dma_start3A_584 = tpu.memref_slice %arg6[%dma_start3A_582, %dma_start3A_583] : memref<100x128xf32, #tpu.memory_space<vmem_shared>> -> memref<100x128xf32, #tpu.memory_space<vmem_shared>>
        %dma_start3A_585 = tpu.memref_slice %arg8[%dma_start3A_577] : memref<8x!tpu.dma_semaphore, #tpu.memory_space<semaphore_mem>> -> memref<1x!tpu.dma_semaphore, #tpu.memory_space<semaphore_mem>>
        %dma_start3A_586 = tpu.memref_squeeze %dma_start3A_585 : memref<1x!tpu.dma_semaphore, #tpu.memory_space<semaphore_mem>> -> memref<!tpu.dma_semaphore, #tpu.memory_space<semaphore_mem>>
        tpu.enqueue_indirect_dma source(%dma_start3A_584 : memref<100x128xf32, #tpu.memory_space<vmem_shared>>) target(%dma_start3A_580 : memref<80x128xf32, #tpu.memory_space<vmem>>) offsets(%dma_start3A_581 : memref<80xi32, #tpu.memory_space<vmem>>) semaphore(%dma_start3A_586 : memref<!tpu.dma_semaphore, #tpu.memory_space<semaphore_mem>>)
      } else {
      }
      %mul3A_411 = arith.constant 8 : i32
      %mul3A_412 = arith.muli %scan3A_101, %mul3A_411 : i32
      %add3A_413 = arith.constant 2 : i32
      %add3A_414 = arith.addi %mul3A_412, %add3A_413 : i32
      %mul3A_415 = arith.constant 80 : i32
      %mul3A_416 = arith.muli %add3A_414, %mul3A_415 : i32
      %add3A_417 = arith.addi %min3A_3, %mul3A_416 : i32
      %dma_wait3A_418 = arith.constant 2 : i32
      %dma_wait3A_419 = arith.constant 160 : i32
      %dma_wait3A_420 = arith.constant 0 : i32
      %dma_wait3A_421 = tpu.memref_slice %arg7[%dma_wait3A_419, %dma_wait3A_420] : memref<640x128xf32, #tpu.memory_space<vmem>> -> memref<80x128xf32, #tpu.memory_space<vmem>>
      %dma_wait3A_422 = arith.constant 0 : i32
      %dma_wait3A_423 = tpu.memref_slice %arg4[%add3A_417, %dma_wait3A_422] : memref<100000x128xf32, #tpu.memory_space<hbm>> -> memref<80x128xf32, #tpu.memory_space<hbm>>
      %dma_wait3A_424 = tpu.memref_slice %arg9[%dma_wait3A_418] : memref<8x!tpu.dma_semaphore, #tpu.memory_space<semaphore_mem>> -> memref<1x!tpu.dma_semaphore, #tpu.memory_space<semaphore_mem>>
      %dma_wait3A_425 = tpu.memref_squeeze %dma_wait3A_424 : memref<1x!tpu.dma_semaphore, #tpu.memory_space<semaphore_mem>> -> memref<!tpu.dma_semaphore, #tpu.memory_space<semaphore_mem>>
      %dma_wait3A_426 = arith.constant 0 : i32
      %dma_wait3A_427 = tpu.memref_slice %arg4[%add3A_417, %dma_wait3A_426] : memref<100000x128xf32, #tpu.memory_space<hbm>> -> memref<80x128xf32, #tpu.memory_space<hbm>>
      %dma_wait3A_428 = arith.constant 160 : i32
      %dma_wait3A_429 = arith.constant 0 : i32
      %dma_wait3A_430 = tpu.memref_slice %arg7[%dma_wait3A_428, %dma_wait3A_429] : memref<640x128xf32, #tpu.memory_space<vmem>> -> memref<80x128xf32, #tpu.memory_space<vmem>>
      tpu.wait_dma2 semaphore(%dma_wait3A_425 : memref<!tpu.dma_semaphore, #tpu.memory_space<semaphore_mem>>) src(%dma_wait3A_430 : memref<80x128xf32, #tpu.memory_space<vmem>>) dst(%dma_wait3A_427 : memref<80x128xf32, #tpu.memory_space<hbm>>)
      %add3A_431 = arith.constant 8 : i32
      %add3A_432 = arith.addi %add3A_414, %add3A_431 : i32
      %lt3A_433 = arith.constant 40 : i32
      %lt3A_434 = arith.cmpi slt, %add3A_432, %lt3A_433 : i32
      %convert_element_type3A_435 = arith.extui %lt3A_434 : i1 to i32
      %cond3A_436 = arith.constant 0 : i32
      %cond3A_437 = arith.cmpi ne, %convert_element_type3A_435, %cond3A_436 : i32
      scf.if %cond3A_437 {
        %add3A_573 = arith.constant 8 : i32
        %add3A_574 = arith.addi %add3A_414, %add3A_573 : i32
        %mul3A_575 = arith.constant 80 : i32
        %mul3A_576 = arith.muli %add3A_574, %mul3A_575 : i32
        %dma_start3A_577 = arith.constant 2 : i32
        %dma_start3A_578 = arith.constant 160 : i32
        %dma_start3A_579 = arith.constant 0 : i32
        %dma_start3A_580 = tpu.memref_slice %arg7[%dma_start3A_578, %dma_start3A_579] : memref<640x128xf32, #tpu.memory_space<vmem>> -> memref<80x128xf32, #tpu.memory_space<vmem>>
        %dma_start3A_581 = tpu.memref_slice %arg5[%mul3A_576] : memref<3200xi32, #tpu.memory_space<vmem>> -> memref<80xi32, #tpu.memory_space<vmem>>
        %dma_start3A_582 = arith.constant 0 : i32
        %dma_start3A_583 = arith.constant 0 : i32
        %dma_start3A_584 = tpu.memref_slice %arg6[%dma_start3A_582, %dma_start3A_583] : memref<100x128xf32, #tpu.memory_space<vmem_shared>> -> memref<100x128xf32, #tpu.memory_space<vmem_shared>>
        %dma_start3A_585 = tpu.memref_slice %arg8[%dma_start3A_577] : memref<8x!tpu.dma_semaphore, #tpu.memory_space<semaphore_mem>> -> memref<1x!tpu.dma_semaphore, #tpu.memory_space<semaphore_mem>>
        %dma_start3A_586 = tpu.memref_squeeze %dma_start3A_585 : memref<1x!tpu.dma_semaphore, #tpu.memory_space<semaphore_mem>> -> memref<!tpu.dma_semaphore, #tpu.memory_space<semaphore_mem>>
        tpu.enqueue_indirect_dma source(%dma_start3A_584 : memref<100x128xf32, #tpu.memory_space<vmem_shared>>) target(%dma_start3A_580 : memref<80x128xf32, #tpu.memory_space<vmem>>) offsets(%dma_start3A_581 : memref<80xi32, #tpu.memory_space<vmem>>) semaphore(%dma_start3A_586 : memref<!tpu.dma_semaphore, #tpu.memory_space<semaphore_mem>>)
      } else {
      }
      %mul3A_438 = arith.constant 8 : i32
      %mul3A_439 = arith.muli %scan3A_101, %mul3A_438 : i32
      %add3A_440 = arith.constant 3 : i32
      %add3A_441 = arith.addi %mul3A_439, %add3A_440 : i32
      %mul3A_442 = arith.constant 80 : i32
      %mul3A_443 = arith.muli %add3A_441, %mul3A_442 : i32
      %add3A_444 = arith.addi %min3A_3, %mul3A_443 : i32
      %dma_wait3A_445 = arith.constant 3 : i32
      %dma_wait3A_446 = arith.constant 240 : i32
      %dma_wait3A_447 = arith.constant 0 : i32
      %dma_wait3A_448 = tpu.memref_slice %arg7[%dma_wait3A_446, %dma_wait3A_447] : memref<640x128xf32, #tpu.memory_space<vmem>> -> memref<80x128xf32, #tpu.memory_space<vmem>>
      %dma_wait3A_449 = arith.constant 0 : i32
      %dma_wait3A_450 = tpu.memref_slice %arg4[%add3A_444, %dma_wait3A_449] : memref<100000x128xf32, #tpu.memory_space<hbm>> -> memref<80x128xf32, #tpu.memory_space<hbm>>
      %dma_wait3A_451 = tpu.memref_slice %arg9[%dma_wait3A_445] : memref<8x!tpu.dma_semaphore, #tpu.memory_space<semaphore_mem>> -> memref<1x!tpu.dma_semaphore, #tpu.memory_space<semaphore_mem>>
      %dma_wait3A_452 = tpu.memref_squeeze %dma_wait3A_451 : memref<1x!tpu.dma_semaphore, #tpu.memory_space<semaphore_mem>> -> memref<!tpu.dma_semaphore, #tpu.memory_space<semaphore_mem>>
      %dma_wait3A_453 = arith.constant 0 : i32
      %dma_wait3A_454 = tpu.memref_slice %arg4[%add3A_444, %dma_wait3A_453] : memref<100000x128xf32, #tpu.memory_space<hbm>> -> memref<80x128xf32, #tpu.memory_space<hbm>>
      %dma_wait3A_455 = arith.constant 240 : i32
      %dma_wait3A_456 = arith.constant 0 : i32
      %dma_wait3A_457 = tpu.memref_slice %arg7[%dma_wait3A_455, %dma_wait3A_456] : memref<640x128xf32, #tpu.memory_space<vmem>> -> memref<80x128xf32, #tpu.memory_space<vmem>>
      tpu.wait_dma2 semaphore(%dma_wait3A_452 : memref<!tpu.dma_semaphore, #tpu.memory_space<semaphore_mem>>) src(%dma_wait3A_457 : memref<80x128xf32, #tpu.memory_space<vmem>>) dst(%dma_wait3A_454 : memref<80x128xf32, #tpu.memory_space<hbm>>)
      %add3A_458 = arith.constant 8 : i32
      %add3A_459 = arith.addi %add3A_441, %add3A_458 : i32
      %lt3A_460 = arith.constant 40 : i32
      %lt3A_461 = arith.cmpi slt, %add3A_459, %lt3A_460 : i32
      %convert_element_type3A_462 = arith.extui %lt3A_461 : i1 to i32
      %cond3A_463 = arith.constant 0 : i32
      %cond3A_464 = arith.cmpi ne, %convert_element_type3A_462, %cond3A_463 : i32
      scf.if %cond3A_464 {
        %add3A_573 = arith.constant 8 : i32
        %add3A_574 = arith.addi %add3A_441, %add3A_573 : i32
        %mul3A_575 = arith.constant 80 : i32
        %mul3A_576 = arith.muli %add3A_574, %mul3A_575 : i32
        %dma_start3A_577 = arith.constant 3 : i32
        %dma_start3A_578 = arith.constant 240 : i32
        %dma_start3A_579 = arith.constant 0 : i32
        %dma_start3A_580 = tpu.memref_slice %arg7[%dma_start3A_578, %dma_start3A_579] : memref<640x128xf32, #tpu.memory_space<vmem>> -> memref<80x128xf32, #tpu.memory_space<vmem>>
        %dma_start3A_581 = tpu.memref_slice %arg5[%mul3A_576] : memref<3200xi32, #tpu.memory_space<vmem>> -> memref<80xi32, #tpu.memory_space<vmem>>
        %dma_start3A_582 = arith.constant 0 : i32
        %dma_start3A_583 = arith.constant 0 : i32
        %dma_start3A_584 = tpu.memref_slice %arg6[%dma_start3A_582, %dma_start3A_583] : memref<100x128xf32, #tpu.memory_space<vmem_shared>> -> memref<100x128xf32, #tpu.memory_space<vmem_shared>>
        %dma_start3A_585 = tpu.memref_slice %arg8[%dma_start3A_577] : memref<8x!tpu.dma_semaphore, #tpu.memory_space<semaphore_mem>> -> memref<1x!tpu.dma_semaphore, #tpu.memory_space<semaphore_mem>>
        %dma_start3A_586 = tpu.memref_squeeze %dma_start3A_585 : memref<1x!tpu.dma_semaphore, #tpu.memory_space<semaphore_mem>> -> memref<!tpu.dma_semaphore, #tpu.memory_space<semaphore_mem>>
        tpu.enqueue_indirect_dma source(%dma_start3A_584 : memref<100x128xf32, #tpu.memory_space<vmem_shared>>) target(%dma_start3A_580 : memref<80x128xf32, #tpu.memory_space<vmem>>) offsets(%dma_start3A_581 : memref<80xi32, #tpu.memory_space<vmem>>) semaphore(%dma_start3A_586 : memref<!tpu.dma_semaphore, #tpu.memory_space<semaphore_mem>>)
      } else {
      }
      %mul3A_465 = arith.constant 8 : i32
      %mul3A_466 = arith.muli %scan3A_101, %mul3A_465 : i32
      %add3A_467 = arith.constant 4 : i32
      %add3A_468 = arith.addi %mul3A_466, %add3A_467 : i32
      %mul3A_469 = arith.constant 80 : i32
      %mul3A_470 = arith.muli %add3A_468, %mul3A_469 : i32
      %add3A_471 = arith.addi %min3A_3, %mul3A_470 : i32
      %dma_wait3A_472 = arith.constant 4 : i32
      %dma_wait3A_473 = arith.constant 320 : i32
      %dma_wait3A_474 = arith.constant 0 : i32
      %dma_wait3A_475 = tpu.memref_slice %arg7[%dma_wait3A_473, %dma_wait3A_474] : memref<640x128xf32, #tpu.memory_space<vmem>> -> memref<80x128xf32, #tpu.memory_space<vmem>>
      %dma_wait3A_476 = arith.constant 0 : i32
      %dma_wait3A_477 = tpu.memref_slice %arg4[%add3A_471, %dma_wait3A_476] : memref<100000x128xf32, #tpu.memory_space<hbm>> -> memref<80x128xf32, #tpu.memory_space<hbm>>
      %dma_wait3A_478 = tpu.memref_slice %arg9[%dma_wait3A_472] : memref<8x!tpu.dma_semaphore, #tpu.memory_space<semaphore_mem>> -> memref<1x!tpu.dma_semaphore, #tpu.memory_space<semaphore_mem>>
      %dma_wait3A_479 = tpu.memref_squeeze %dma_wait3A_478 : memref<1x!tpu.dma_semaphore, #tpu.memory_space<semaphore_mem>> -> memref<!tpu.dma_semaphore, #tpu.memory_space<semaphore_mem>>
      %dma_wait3A_480 = arith.constant 0 : i32
      %dma_wait3A_481 = tpu.memref_slice %arg4[%add3A_471, %dma_wait3A_480] : memref<100000x128xf32, #tpu.memory_space<hbm>> -> memref<80x128xf32, #tpu.memory_space<hbm>>
      %dma_wait3A_482 = arith.constant 320 : i32
      %dma_wait3A_483 = arith.constant 0 : i32
      %dma_wait3A_484 = tpu.memref_slice %arg7[%dma_wait3A_482, %dma_wait3A_483] : memref<640x128xf32, #tpu.memory_space<vmem>> -> memref<80x128xf32, #tpu.memory_space<vmem>>
      tpu.wait_dma2 semaphore(%dma_wait3A_479 : memref<!tpu.dma_semaphore, #tpu.memory_space<semaphore_mem>>) src(%dma_wait3A_484 : memref<80x128xf32, #tpu.memory_space<vmem>>) dst(%dma_wait3A_481 : memref<80x128xf32, #tpu.memory_space<hbm>>)
      %add3A_485 = arith.constant 8 : i32
      %add3A_486 = arith.addi %add3A_468, %add3A_485 : i32
      %lt3A_487 = arith.constant 40 : i32
      %lt3A_488 = arith.cmpi slt, %add3A_486, %lt3A_487 : i32
      %convert_element_type3A_489 = arith.extui %lt3A_488 : i1 to i32
      %cond3A_490 = arith.constant 0 : i32
      %cond3A_491 = arith.cmpi ne, %convert_element_type3A_489, %cond3A_490 : i32
      scf.if %cond3A_491 {
        %add3A_573 = arith.constant 8 : i32
        %add3A_574 = arith.addi %add3A_468, %add3A_573 : i32
        %mul3A_575 = arith.constant 80 : i32
        %mul3A_576 = arith.muli %add3A_574, %mul3A_575 : i32
        %dma_start3A_577 = arith.constant 4 : i32
        %dma_start3A_578 = arith.constant 320 : i32
        %dma_start3A_579 = arith.constant 0 : i32
        %dma_start3A_580 = tpu.memref_slice %arg7[%dma_start3A_578, %dma_start3A_579] : memref<640x128xf32, #tpu.memory_space<vmem>> -> memref<80x128xf32, #tpu.memory_space<vmem>>
        %dma_start3A_581 = tpu.memref_slice %arg5[%mul3A_576] : memref<3200xi32, #tpu.memory_space<vmem>> -> memref<80xi32, #tpu.memory_space<vmem>>
        %dma_start3A_582 = arith.constant 0 : i32
        %dma_start3A_583 = arith.constant 0 : i32
        %dma_start3A_584 = tpu.memref_slice %arg6[%dma_start3A_582, %dma_start3A_583] : memref<100x128xf32, #tpu.memory_space<vmem_shared>> -> memref<100x128xf32, #tpu.memory_space<vmem_shared>>
        %dma_start3A_585 = tpu.memref_slice %arg8[%dma_start3A_577] : memref<8x!tpu.dma_semaphore, #tpu.memory_space<semaphore_mem>> -> memref<1x!tpu.dma_semaphore, #tpu.memory_space<semaphore_mem>>
        %dma_start3A_586 = tpu.memref_squeeze %dma_start3A_585 : memref<1x!tpu.dma_semaphore, #tpu.memory_space<semaphore_mem>> -> memref<!tpu.dma_semaphore, #tpu.memory_space<semaphore_mem>>
        tpu.enqueue_indirect_dma source(%dma_start3A_584 : memref<100x128xf32, #tpu.memory_space<vmem_shared>>) target(%dma_start3A_580 : memref<80x128xf32, #tpu.memory_space<vmem>>) offsets(%dma_start3A_581 : memref<80xi32, #tpu.memory_space<vmem>>) semaphore(%dma_start3A_586 : memref<!tpu.dma_semaphore, #tpu.memory_space<semaphore_mem>>)
      } else {
      }
      %mul3A_492 = arith.constant 8 : i32
      %mul3A_493 = arith.muli %scan3A_101, %mul3A_492 : i32
      %add3A_494 = arith.constant 5 : i32
      %add3A_495 = arith.addi %mul3A_493, %add3A_494 : i32
      %mul3A_496 = arith.constant 80 : i32
      %mul3A_497 = arith.muli %add3A_495, %mul3A_496 : i32
      %add3A_498 = arith.addi %min3A_3, %mul3A_497 : i32
      %dma_wait3A_499 = arith.constant 5 : i32
      %dma_wait3A_500 = arith.constant 400 : i32
      %dma_wait3A_501 = arith.constant 0 : i32
      %dma_wait3A_502 = tpu.memref_slice %arg7[%dma_wait3A_500, %dma_wait3A_501] : memref<640x128xf32, #tpu.memory_space<vmem>> -> memref<80x128xf32, #tpu.memory_space<vmem>>
      %dma_wait3A_503 = arith.constant 0 : i32
      %dma_wait3A_504 = tpu.memref_slice %arg4[%add3A_498, %dma_wait3A_503] : memref<100000x128xf32, #tpu.memory_space<hbm>> -> memref<80x128xf32, #tpu.memory_space<hbm>>
      %dma_wait3A_505 = tpu.memref_slice %arg9[%dma_wait3A_499] : memref<8x!tpu.dma_semaphore, #tpu.memory_space<semaphore_mem>> -> memref<1x!tpu.dma_semaphore, #tpu.memory_space<semaphore_mem>>
      %dma_wait3A_506 = tpu.memref_squeeze %dma_wait3A_505 : memref<1x!tpu.dma_semaphore, #tpu.memory_space<semaphore_mem>> -> memref<!tpu.dma_semaphore, #tpu.memory_space<semaphore_mem>>
      %dma_wait3A_507 = arith.constant 0 : i32
      %dma_wait3A_508 = tpu.memref_slice %arg4[%add3A_498, %dma_wait3A_507] : memref<100000x128xf32, #tpu.memory_space<hbm>> -> memref<80x128xf32, #tpu.memory_space<hbm>>
      %dma_wait3A_509 = arith.constant 400 : i32
      %dma_wait3A_510 = arith.constant 0 : i32
      %dma_wait3A_511 = tpu.memref_slice %arg7[%dma_wait3A_509, %dma_wait3A_510] : memref<640x128xf32, #tpu.memory_space<vmem>> -> memref<80x128xf32, #tpu.memory_space<vmem>>
      tpu.wait_dma2 semaphore(%dma_wait3A_506 : memref<!tpu.dma_semaphore, #tpu.memory_space<semaphore_mem>>) src(%dma_wait3A_511 : memref<80x128xf32, #tpu.memory_space<vmem>>) dst(%dma_wait3A_508 : memref<80x128xf32, #tpu.memory_space<hbm>>)
      %add3A_512 = arith.constant 8 : i32
      %add3A_513 = arith.addi %add3A_495, %add3A_512 : i32
      %lt3A_514 = arith.constant 40 : i32
      %lt3A_515 = arith.cmpi slt, %add3A_513, %lt3A_514 : i32
      %convert_element_type3A_516 = arith.extui %lt3A_515 : i1 to i32
      %cond3A_517 = arith.constant 0 : i32
      %cond3A_518 = arith.cmpi ne, %convert_element_type3A_516, %cond3A_517 : i32
      scf.if %cond3A_518 {
        %add3A_573 = arith.constant 8 : i32
        %add3A_574 = arith.addi %add3A_495, %add3A_573 : i32
        %mul3A_575 = arith.constant 80 : i32
        %mul3A_576 = arith.muli %add3A_574, %mul3A_575 : i32
        %dma_start3A_577 = arith.constant 5 : i32
        %dma_start3A_578 = arith.constant 400 : i32
        %dma_start3A_579 = arith.constant 0 : i32
        %dma_start3A_580 = tpu.memref_slice %arg7[%dma_start3A_578, %dma_start3A_579] : memref<640x128xf32, #tpu.memory_space<vmem>> -> memref<80x128xf32, #tpu.memory_space<vmem>>
        %dma_start3A_581 = tpu.memref_slice %arg5[%mul3A_576] : memref<3200xi32, #tpu.memory_space<vmem>> -> memref<80xi32, #tpu.memory_space<vmem>>
        %dma_start3A_582 = arith.constant 0 : i32
        %dma_start3A_583 = arith.constant 0 : i32
        %dma_start3A_584 = tpu.memref_slice %arg6[%dma_start3A_582, %dma_start3A_583] : memref<100x128xf32, #tpu.memory_space<vmem_shared>> -> memref<100x128xf32, #tpu.memory_space<vmem_shared>>
        %dma_start3A_585 = tpu.memref_slice %arg8[%dma_start3A_577] : memref<8x!tpu.dma_semaphore, #tpu.memory_space<semaphore_mem>> -> memref<1x!tpu.dma_semaphore, #tpu.memory_space<semaphore_mem>>
        %dma_start3A_586 = tpu.memref_squeeze %dma_start3A_585 : memref<1x!tpu.dma_semaphore, #tpu.memory_space<semaphore_mem>> -> memref<!tpu.dma_semaphore, #tpu.memory_space<semaphore_mem>>
        tpu.enqueue_indirect_dma source(%dma_start3A_584 : memref<100x128xf32, #tpu.memory_space<vmem_shared>>) target(%dma_start3A_580 : memref<80x128xf32, #tpu.memory_space<vmem>>) offsets(%dma_start3A_581 : memref<80xi32, #tpu.memory_space<vmem>>) semaphore(%dma_start3A_586 : memref<!tpu.dma_semaphore, #tpu.memory_space<semaphore_mem>>)
      } else {
      }
      %mul3A_519 = arith.constant 8 : i32
      %mul3A_520 = arith.muli %scan3A_101, %mul3A_519 : i32
      %add3A_521 = arith.constant 6 : i32
      %add3A_522 = arith.addi %mul3A_520, %add3A_521 : i32
      %mul3A_523 = arith.constant 80 : i32
      %mul3A_524 = arith.muli %add3A_522, %mul3A_523 : i32
      %add3A_525 = arith.addi %min3A_3, %mul3A_524 : i32
      %dma_wait3A_526 = arith.constant 6 : i32
      %dma_wait3A_527 = arith.constant 480 : i32
      %dma_wait3A_528 = arith.constant 0 : i32
      %dma_wait3A_529 = tpu.memref_slice %arg7[%dma_wait3A_527, %dma_wait3A_528] : memref<640x128xf32, #tpu.memory_space<vmem>> -> memref<80x128xf32, #tpu.memory_space<vmem>>
      %dma_wait3A_530 = arith.constant 0 : i32
      %dma_wait3A_531 = tpu.memref_slice %arg4[%add3A_525, %dma_wait3A_530] : memref<100000x128xf32, #tpu.memory_space<hbm>> -> memref<80x128xf32, #tpu.memory_space<hbm>>
      %dma_wait3A_532 = tpu.memref_slice %arg9[%dma_wait3A_526] : memref<8x!tpu.dma_semaphore, #tpu.memory_space<semaphore_mem>> -> memref<1x!tpu.dma_semaphore, #tpu.memory_space<semaphore_mem>>
      %dma_wait3A_533 = tpu.memref_squeeze %dma_wait3A_532 : memref<1x!tpu.dma_semaphore, #tpu.memory_space<semaphore_mem>> -> memref<!tpu.dma_semaphore, #tpu.memory_space<semaphore_mem>>
      %dma_wait3A_534 = arith.constant 0 : i32
      %dma_wait3A_535 = tpu.memref_slice %arg4[%add3A_525, %dma_wait3A_534] : memref<100000x128xf32, #tpu.memory_space<hbm>> -> memref<80x128xf32, #tpu.memory_space<hbm>>
      %dma_wait3A_536 = arith.constant 480 : i32
      %dma_wait3A_537 = arith.constant 0 : i32
      %dma_wait3A_538 = tpu.memref_slice %arg7[%dma_wait3A_536, %dma_wait3A_537] : memref<640x128xf32, #tpu.memory_space<vmem>> -> memref<80x128xf32, #tpu.memory_space<vmem>>
      tpu.wait_dma2 semaphore(%dma_wait3A_533 : memref<!tpu.dma_semaphore, #tpu.memory_space<semaphore_mem>>) src(%dma_wait3A_538 : memref<80x128xf32, #tpu.memory_space<vmem>>) dst(%dma_wait3A_535 : memref<80x128xf32, #tpu.memory_space<hbm>>)
      %add3A_539 = arith.constant 8 : i32
      %add3A_540 = arith.addi %add3A_522, %add3A_539 : i32
      %lt3A_541 = arith.constant 40 : i32
      %lt3A_542 = arith.cmpi slt, %add3A_540, %lt3A_541 : i32
      %convert_element_type3A_543 = arith.extui %lt3A_542 : i1 to i32
      %cond3A_544 = arith.constant 0 : i32
      %cond3A_545 = arith.cmpi ne, %convert_element_type3A_543, %cond3A_544 : i32
      scf.if %cond3A_545 {
        %add3A_573 = arith.constant 8 : i32
        %add3A_574 = arith.addi %add3A_522, %add3A_573 : i32
        %mul3A_575 = arith.constant 80 : i32
        %mul3A_576 = arith.muli %add3A_574, %mul3A_575 : i32
        %dma_start3A_577 = arith.constant 6 : i32
        %dma_start3A_578 = arith.constant 480 : i32
        %dma_start3A_579 = arith.constant 0 : i32
        %dma_start3A_580 = tpu.memref_slice %arg7[%dma_start3A_578, %dma_start3A_579] : memref<640x128xf32, #tpu.memory_space<vmem>> -> memref<80x128xf32, #tpu.memory_space<vmem>>
        %dma_start3A_581 = tpu.memref_slice %arg5[%mul3A_576] : memref<3200xi32, #tpu.memory_space<vmem>> -> memref<80xi32, #tpu.memory_space<vmem>>
        %dma_start3A_582 = arith.constant 0 : i32
        %dma_start3A_583 = arith.constant 0 : i32
        %dma_start3A_584 = tpu.memref_slice %arg6[%dma_start3A_582, %dma_start3A_583] : memref<100x128xf32, #tpu.memory_space<vmem_shared>> -> memref<100x128xf32, #tpu.memory_space<vmem_shared>>
        %dma_start3A_585 = tpu.memref_slice %arg8[%dma_start3A_577] : memref<8x!tpu.dma_semaphore, #tpu.memory_space<semaphore_mem>> -> memref<1x!tpu.dma_semaphore, #tpu.memory_space<semaphore_mem>>
        %dma_start3A_586 = tpu.memref_squeeze %dma_start3A_585 : memref<1x!tpu.dma_semaphore, #tpu.memory_space<semaphore_mem>> -> memref<!tpu.dma_semaphore, #tpu.memory_space<semaphore_mem>>
        tpu.enqueue_indirect_dma source(%dma_start3A_584 : memref<100x128xf32, #tpu.memory_space<vmem_shared>>) target(%dma_start3A_580 : memref<80x128xf32, #tpu.memory_space<vmem>>) offsets(%dma_start3A_581 : memref<80xi32, #tpu.memory_space<vmem>>) semaphore(%dma_start3A_586 : memref<!tpu.dma_semaphore, #tpu.memory_space<semaphore_mem>>)
      } else {
      }
      %mul3A_546 = arith.constant 8 : i32
      %mul3A_547 = arith.muli %scan3A_101, %mul3A_546 : i32
      %add3A_548 = arith.constant 7 : i32
      %add3A_549 = arith.addi %mul3A_547, %add3A_548 : i32
      %mul3A_550 = arith.constant 80 : i32
      %mul3A_551 = arith.muli %add3A_549, %mul3A_550 : i32
      %add3A_552 = arith.addi %min3A_3, %mul3A_551 : i32
      %dma_wait3A_553 = arith.constant 7 : i32
      %dma_wait3A_554 = arith.constant 560 : i32
      %dma_wait3A_555 = arith.constant 0 : i32
      %dma_wait3A_556 = tpu.memref_slice %arg7[%dma_wait3A_554, %dma_wait3A_555] : memref<640x128xf32, #tpu.memory_space<vmem>> -> memref<80x128xf32, #tpu.memory_space<vmem>>
      %dma_wait3A_557 = arith.constant 0 : i32
      %dma_wait3A_558 = tpu.memref_slice %arg4[%add3A_552, %dma_wait3A_557] : memref<100000x128xf32, #tpu.memory_space<hbm>> -> memref<80x128xf32, #tpu.memory_space<hbm>>
      %dma_wait3A_559 = tpu.memref_slice %arg9[%dma_wait3A_553] : memref<8x!tpu.dma_semaphore, #tpu.memory_space<semaphore_mem>> -> memref<1x!tpu.dma_semaphore, #tpu.memory_space<semaphore_mem>>
      %dma_wait3A_560 = tpu.memref_squeeze %dma_wait3A_559 : memref<1x!tpu.dma_semaphore, #tpu.memory_space<semaphore_mem>> -> memref<!tpu.dma_semaphore, #tpu.memory_space<semaphore_mem>>
      %dma_wait3A_561 = arith.constant 0 : i32
      %dma_wait3A_562 = tpu.memref_slice %arg4[%add3A_552, %dma_wait3A_561] : memref<100000x128xf32, #tpu.memory_space<hbm>> -> memref<80x128xf32, #tpu.memory_space<hbm>>
      %dma_wait3A_563 = arith.constant 560 : i32
      %dma_wait3A_564 = arith.constant 0 : i32
      %dma_wait3A_565 = tpu.memref_slice %arg7[%dma_wait3A_563, %dma_wait3A_564] : memref<640x128xf32, #tpu.memory_space<vmem>> -> memref<80x128xf32, #tpu.memory_space<vmem>>
      tpu.wait_dma2 semaphore(%dma_wait3A_560 : memref<!tpu.dma_semaphore, #tpu.memory_space<semaphore_mem>>) src(%dma_wait3A_565 : memref<80x128xf32, #tpu.memory_space<vmem>>) dst(%dma_wait3A_562 : memref<80x128xf32, #tpu.memory_space<hbm>>)
      %add3A_566 = arith.constant 8 : i32
      %add3A_567 = arith.addi %add3A_549, %add3A_566 : i32
      %lt3A_568 = arith.constant 40 : i32
      %lt3A_569 = arith.cmpi slt, %add3A_567, %lt3A_568 : i32
      %convert_element_type3A_570 = arith.extui %lt3A_569 : i1 to i32
      %cond3A_571 = arith.constant 0 : i32
      %cond3A_572 = arith.cmpi ne, %convert_element_type3A_570, %cond3A_571 : i32
      scf.if %cond3A_572 {
        %add3A_573 = arith.constant 8 : i32
        %add3A_574 = arith.addi %add3A_549, %add3A_573 : i32
        %mul3A_575 = arith.constant 80 : i32
        %mul3A_576 = arith.muli %add3A_574, %mul3A_575 : i32
        %dma_start3A_577 = arith.constant 7 : i32
        %dma_start3A_578 = arith.constant 560 : i32
        %dma_start3A_579 = arith.constant 0 : i32
        %dma_start3A_580 = tpu.memref_slice %arg7[%dma_start3A_578, %dma_start3A_579] : memref<640x128xf32, #tpu.memory_space<vmem>> -> memref<80x128xf32, #tpu.memory_space<vmem>>
        %dma_start3A_581 = tpu.memref_slice %arg5[%mul3A_576] : memref<3200xi32, #tpu.memory_space<vmem>> -> memref<80xi32, #tpu.memory_space<vmem>>
        %dma_start3A_582 = arith.constant 0 : i32
        %dma_start3A_583 = arith.constant 0 : i32
        %dma_start3A_584 = tpu.memref_slice %arg6[%dma_start3A_582, %dma_start3A_583] : memref<100x128xf32, #tpu.memory_space<vmem_shared>> -> memref<100x128xf32, #tpu.memory_space<vmem_shared>>
        %dma_start3A_585 = tpu.memref_slice %arg8[%dma_start3A_577] : memref<8x!tpu.dma_semaphore, #tpu.memory_space<semaphore_mem>> -> memref<1x!tpu.dma_semaphore, #tpu.memory_space<semaphore_mem>>
        %dma_start3A_586 = tpu.memref_squeeze %dma_start3A_585 : memref<1x!tpu.dma_semaphore, #tpu.memory_space<semaphore_mem>> -> memref<!tpu.dma_semaphore, #tpu.memory_space<semaphore_mem>>
        tpu.enqueue_indirect_dma source(%dma_start3A_584 : memref<100x128xf32, #tpu.memory_space<vmem_shared>>) target(%dma_start3A_580 : memref<80x128xf32, #tpu.memory_space<vmem>>) offsets(%dma_start3A_581 : memref<80xi32, #tpu.memory_space<vmem>>) semaphore(%dma_start3A_586 : memref<!tpu.dma_semaphore, #tpu.memory_space<semaphore_mem>>)
      } else {
      }
    }
    %scan3A_100 = arith.constant 5 : i32
    return
  }
}

</mosaic_0001>

<sc_bundles>
// kernel: kernel.3.cloned.1.call-start
scs
__scs_entry_jumppad:
0x0: {  	(pc) =	sbr.rel $0x88, $3  }
0x1: {  	(tag) =	ssettag $0x0;
	lr =	simm.s32 $0x1  }
0x2: {  	[smem:$0x3F9F] =	sst lr;
	_ =	strace $0xD0000000  }
0x3: {  	_ = 	snop  }
0x4: {  	_ = 	snop  }
0x5: {  	_ = 	snop  }
0x6: {  	_ = 	snop  }
0x7: {  	_ = 	snop  }
__scs_overlays_trampoline_lowered:
0x8: {  	[smem:$0x3FAE] =	sst s0  }
0x9: {  	[smem:$0x3FAF] =	sst s1  }
0xa: {  	[smem:$0x3FB0] =	sst s2  }
0xb: {  	[smem:$0x3FB1] =	sst s3  }
0xc: {  	[smem:$0x3FB2] =	sst s4  }
0xd: {  	[smem:$0x3FB3] =	sst s5  }
0xe: {  	[smem:$0x3FB4] =	sst s6  }
0xf: {  	[smem:$0x3FB5] =	sst s7  }
0x10: {  	[smem:$0x3FB6] =	sst s8  }
0x11: {  	[smem:$0x3FB7] =	sst s9;
	s0 =	simm.s32 @!p0 $0x0  }
0x12: {  	s1 =	sld [smem:$0x3F9D];
	s0 =	simm.s32 @p0 $0x1  }
0x13: {  	[smem:$0x3FB8] =	sst s0;
	s0 =	simm.s32 @!p1 $0x0  }
0x14: {  	s2 =	sld [smem:$0x3F9C];
	s0 =	simm.s32 @p1 $0x1  }
0x15: {  	[smem:$0x3FB9] =	sst s0;
	s0 =	simm.s32 @!p2 $0x0  }
0x16: {  	s3 =	sld [smem:$0x3FDB];
	s0 =	simm.s32 @p2 $0x1  }
0x17: {  	s4 =	simm.s32 $0x1BF5;
	[smem:$0x3FBB] =	sst s0  }
0x18: {  	s0 =	sld [smem:$0x3F9E];
	_ =	swait.ge [sflag:s4], $0x0  }
0x19: {  	s7 =	sld [smem:$0x3F9F]  }
0x1a: {  	s8 =	sadd.s32 $0xFFFFE003, lr  }
0x1b: {  	s9 =	sadd.s32 $0xFFFFFEF7, lr;
	s5 =	simm.s32 $0xFFFFFFFF;
	p2 =	slt.u32 s8, $0xFFFFF086  }
0x1c: {  	p1 =	slt.u32 s9, $0xF7A;
	s5 =	simm.s32 @!p2 $0x0  }
0x1d: {  	s5 =	simm.s32 @p1 $0x1;
	p0 =	seq.s32 s7, s2  }
0x1e: {  	s7 =	smul.u32 @!p0 $0xF7A, s2;
	p2 =	seq.s32 @!p0 s5, $0x0  }
0x1f: {  	s9 =	smul.u32 $0xF7A, s1;
	s8 =	simm.s32 @!p0 $0x1BF5;
	p2 =	por !p2, p0  }
0x20: {  	[sflag:s8] =	ssyncset.s32 @!p0 $0xFFFFF086;
	s6 =	sadd.s32 @!p0 s3, s7;
	s7 =	simm.s32 @!p0 $0x108  }
0x21: {  	s3 =	sadd.s32 s3, s9;
	s6 =	sadd.s32 @!p0 $0x88, s6;
	s7 =	simm.s32 @p2 $0x1082  }
0x22: {  	[simem:s7], [sflag:s8] =	dma.local @!p0 [hbm:s6], $0xF7A  }
0x23: {  	s9 =	sor.u32 $0xD0000000, s2;
	s6 =	simm.s32 $0x108;
	_ =	swait.ge @!p0 [sflag:s8], $0x0  }
0x24: {  	s3 =	sadd.s32 $0x88, s3;
	s6 =	simm.s32 @!p1 $0x1082;
	[sflag:s4] =	ssyncset.s32 $0xFFFFF086  }
0x25: {  	[simem:s6], [sflag:s4] =	dma.local [hbm:s3], $0xF7A  }
0x26: {  	[smem:$0x3F9F] =	sst s1;
	(tag) =	ssettag s2;
	_ =	strace s9  }
0x27: {  	s1 =	sld [smem:$0x3FAF]  }
0x28: {  	s2 =	sld [smem:$0x3FB0]  }
0x29: {  	s4 =	sld [smem:$0x3FB2]  }
0x2a: {  	p0 =	seq.s32 s5, $0x0;
	s5 =	sld [smem:$0x3FB3]  }
0x2b: {  	s6 =	sld [smem:$0x3FB4]  }
0x2c: {  	s7 =	sld [smem:$0x3FB5]  }
0x2d: {  	s3 =	simm.s32 $0x108;
	s8 =	sld [smem:$0x3FB6]  }
0x2e: {  	s3 =	simm.s32 @!p0 $0x1082;
	s9 =	sld [smem:$0x3FB7]  }
0x2f: {  	lr =	sadd.s32 s0, s3;
	s0 =	sld [smem:$0x3FAE]  }
0x30: {  	s3 =	sld [smem:$0x3FB1]  }
0x31: {  	[smem:$0x3FBA] =	sst s10  }
0x32: {  	s10 =	sld [smem:$0x3FB8];
	_ =	sdelay $0x3  }
0x33: {  	p0 =	seq.s32 s10, $0x1;
	s10 =	sld [smem:$0x3FBA];
	_ =	sdelay $0x3  }
0x34: {  	[smem:$0x3FBA] =	sst s10  }
0x35: {  	s10 =	sld [smem:$0x3FB9];
	_ =	sdelay $0x3  }
0x36: {  	p1 =	seq.s32 s10, $0x1;
	s10 =	sld [smem:$0x3FBA];
	_ =	sdelay $0x3  }
0x37: {  	[smem:$0x3FBA] =	sst s10  }
0x38: {  	s10 =	sld [smem:$0x3FBB]  }
0x39: {  	_ = 	snop;
	(pc) =	sbr.ind lr, $3  }
0x3a: {  	_ = 	snop  }
0x3b: {  	_ = 	snop  }
0x3c: {  	p2 =	seq.s32 s10, $0x1;
	s10 =	sld [smem:$0x3FBA]  }
0x3d: {  	_ =	shalt  }
0x3e: {  	_ =	shalt  }
0x3f: {  	_ =	shalt  }
0x40: {  	_ =	shalt  }
0x41: {  	_ =	shalt  }
0x42: {  	_ =	shalt  }
0x43: {  	_ =	shalt  }
0x44: {  	_ =	shalt  }
0x45: {  	_ =	shalt  }
0x46: {  	_ =	shalt  }
0x47: {  	_ =	shalt  }
0x48: {  	_ =	shalt  }
0x49: {  	_ =	shalt  }
0x4a: {  	_ =	shalt  }
0x4b: {  	_ =	shalt  }
0x4c: {  	_ =	shalt  }
0x4d: {  	_ =	shalt  }
0x4e: {  	_ =	shalt  }
0x4f: {  	_ =	shalt  }
0x50: {  	_ =	shalt  }
0x51: {  	_ =	shalt  }
0x52: {  	_ =	shalt  }
0x53: {  	_ =	shalt  }
0x54: {  	_ =	shalt  }
0x55: {  	_ =	shalt  }
0x56: {  	_ =	shalt  }
0x57: {  	_ =	shalt  }
0x58: {  	_ =	shalt  }
0x59: {  	_ =	shalt  }
0x5a: {  	_ =	shalt  }
0x5b: {  	_ =	shalt  }
0x5c: {  	_ =	shalt  }
0x5d: {  	_ =	shalt  }
0x5e: {  	_ =	shalt  }
0x5f: {  	_ =	shalt  }
0x60: {  	_ =	shalt  }
0x61: {  	_ =	shalt  }
0x62: {  	_ =	shalt  }
0x63: {  	_ =	shalt  }
0x64: {  	_ =	shalt  }
0x65: {  	_ =	shalt  }
0x66: {  	_ =	shalt  }
0x67: {  	_ =	shalt  }
0x68: {  	_ =	shalt  }
0x69: {  	_ =	shalt  }
0x6a: {  	_ =	shalt  }
0x6b: {  	_ =	shalt  }
0x6c: {  	_ =	shalt  }
0x6d: {  	_ =	shalt  }
0x6e: {  	_ =	shalt  }
0x6f: {  	_ =	shalt  }
0x70: {  	_ =	shalt  }
0x71: {  	_ =	shalt  }
0x72: {  	_ =	shalt  }
0x73: {  	_ =	shalt  }
0x74: {  	_ =	shalt  }
0x75: {  	_ =	shalt  }
0x76: {  	_ =	shalt  }
0x77: {  	_ =	shalt  }
0x78: {  	_ =	shalt  }
0x79: {  	_ =	shalt  }
0x7a: {  	_ =	shalt  }
0x7b: {  	_ =	shalt  }
0x7c: {  	_ =	shalt  }
0x7d: {  	_ =	shalt  }
0x7e: {  	_ =	shalt  }
0x7f: {  	_ =	shalt  }
0x80: {  	_ =	shalt  }
0x81: {  	_ =	shalt  }
0x82: {  	_ =	shalt  }
0x83: {  	_ =	shalt  }
0x84: {  	_ =	shalt  }
0x85: {  	_ =	shalt  }
0x86: {  	_ =	shalt  }
0x87: {  	_ =	shalt  }
.Lfunc_end0:
.L_simem_size_0:
called_computation_lowered:
.L_overlay_start_0:
0x88: {  	s2 =	sld [smem:$0x3FD9]  }
0x89: {  	s3 =	sld [smem:$0x3FFE];
	_ =	sdelay $0x1  }
0x8a: {  	s1 =	srdreg.scid  }
0x8b: {  	s0 =	sand.u32 $0x1, s1  }
0x8c: {  	s18 =	sshll.u32 s0, $0xA;
	s2 =	sadd.s32 s3, s2  }
0x8d: {  	s2 =	sadd.s32 s2, s18  }
0x8e: {  	[smem:$0x3FC6] =	sst s2  }
0x8f: {  	_ = 	snop  }
0x90: {  	s2 =	sld [smem:$0x3FC9]  }
0x91: {  	s19 =	sld [smem:$0x3FC8]  }
0x92: {  	s4 =	sld [smem:$0x3FD0];
	(tm) =	ssettm $0x1  }
0x93: {  	s5 =	sld [smem:$0x3FFB];
	_ =	sdelay $0x3  }
0x94: {  	_ =	strace s5  }
0x95: {  	s5 =	sld [smem:$0x3FFC];
	_ =	sdelay $0x3  }
0x96: {  	_ =	strace s5  }
0x97: {  	s5 =	sld [smem:$0x3FFD];
	_ =	sdelay $0x3  }
0x98: {  	_ =	strace s5  }
0x99: {  	_ =	strace $0x8FFFFFFF  }
0x9a: {  	s20 =	sld [smem:$0x3FDB];
	_ =	sdelay $0x1  }
0x9b: {  	s6 =	simm.s32 $_scs_section_size  }
0x9c: {  	s7 =	simm.s32 $_size__tile_overlayer_lowered;
	s8 =	simm.s32 $_tile_overlayer_lowered  }
0x9d: {  	s23 =	simm.s32 $0x1BFF;
	s22 =	sshll.u32 s8, $0x1;
	s5 =	sadd.s32 s6, s20  }
0x9e: {  	s9 =	simm.s32 $0x0;
	s21 =	sshll.u32 s7, $0x1;
	s7 =	sadd.s32 s22, s5  }
0x9f: {  	[timem:s9], [sflag:s23] =	dma.local [hbm:s7], s21  }
0xa0: {  	_ =	swait.ge [sflag:s23], s21  }
0xa1: {  	s6 =	ssub.s32 $0x0, s21;
	[sflag:s23] =	ssyncset.done $0x0  }
0xa2: {  	[sflag:s23] =	ssyncadd.s32 s6;
	_ =	sdelay $0x1  }
0xa3: {  	s24 =	simm.s32 $0x1B8B  }
0xa4: {  	_ =	swait.ge [sflag:s24], $0x1  }
0xa5: {  	[sflag:s24] =	ssyncset.done $0x0  }
0xa6: {  	s25 =	simm.s32 $0x1B8E;
	[sflag:s24] =	ssyncadd.s32 $0xFFFFFFFF  }
0xa7: {  	s26 =	simm.s32 $execute0_lowered;
	[smem:$0x3FD2] =	sst s25  }
0xa8: {  	s6 =	sshll.u32 s26, $0x1;
	_ =	strace $0x80000046;
	[dreg:$0x1] =	wrdreg $0xFFFFFFFF  }
0xa9: {  	s28 =	simm.s32 $_size_execute0_lowered;
	s5 =	sadd.s32 s5, s6;
	[dreg:$0x0] =	wrdreg $0x0  }
0xaa: {  	s6 =	sshll.u32 s28, $0x1;
	[dreg:$0x2] =	wrdreg s5  }
0xab: {  	[dreg:$0x3] =	wrdreg s6  }
0xac: {  	[dreg:$0x4] =	wrdreg $0xC0  }
0xad: {  	_ =	task [dreg:s9], $0x5FFFF  }
0xae: {  	[dreg:$0x1] =	wrdreg $0xFFFFFFFF  }
0xaf: {  	[dreg:$0x0] =	wrdreg $0x60  }
0xb0: {  	[dreg:$0x2] =	wrdreg s2  }
0xb1: {  	[dreg:$0x3] =	wrdreg s19  }
0xb2: {  	[dreg:$0x4] =	wrdreg s4  }
0xb3: {  	[dreg:$0x5] =	wrdreg $0xC800  }
0xb4: {  	[dreg:$0x6] =	wrdreg $0x9  }
0xb5: {  	_ =	task.clear_ibuf [dreg:s9], $0x7FFFF;
	_ =	strace $0x90000046  }
0xb6: {  	s29 =	simm.s32 $0x9;
	_ =	strace $0x80000048  }
0xb7: {  	_ =	swait.ge [sflag:s29], $0x1  }
0xb8: {  	[sflag:s29] =	ssyncadd.s32 $0xFFFFFFFF  }
0xb9: {  	_ =	strace $0x90000048  }
0xba: {  	_ =	sfence  }
0xbb: {  	s30 =	sld [smem:$0x0];
	_ =	sdelay $0x2  }
0xbc: {  	s31 =	sshll.u32 s1, $0xD;
	s1 =	sshrl.u32 s1, $0x2  }
0xbd: {  	s3 =	sand.u32 $0x4000, s31;
	s1 =	sadd.s32 s1, s30  }
0xbe: {  	s0 =	sor.u32 s3, s0;
	s1 =	sshll.u32 s1, $0x11  }
0xbf: {  	s0 =	sor.u32 s1, s0  }
0xc0: {  	s0 =	sadd.s32 $0x8F2B, s0  }
0xc1: {  	[sflag:s0] =	ssyncadd.remote.s32 $0x1  }
0xc2: {  	_ =	sfence.sel $0xFFFF  }
0xc3: {  	[dreg:$0x0] =	wrdreg $0xFFFFFFFF;
	(pc) =	sbr.abs _section_cstart, $3  }
0xc4: {  	[dreg:$0x1] =	wrdreg $0xFFFFFFFF  }
0xc5: {  	_ =	task.clear_ibuf [dreg:s9], $0x2FFFF;
	_ =	strace $0x9FFFFFFF  }
0xc6: {  	(tm) =	ssettm $0x7FFFFFFF  }
0xc7: {  	_ =	shalt  }
tec
execute0_lowered:
.L_overlay_start_1:
0x0: {  	(tag) =	ssettag $0x1  }
0x1: {  	s0 =	rddreg [dreg:$0x0]  }
0x2: {  	s1 =	rddreg [dreg:$0x2]  }
0x3: {  	s2 =	rddreg [dreg:$0x3]  }
0x4: {  	s3 =	srdreg.scid;
	s4 =	stileid.u32  }
0x5: {  	s9 =	simm.s32 $0x50;
	s10 =	simm.s32 $0xFA0;
	s11 =	simm.s32 $0x37A0  }
0x6: {  	s13 =	simm.s32 $0x5FA0;
	s15 =	simm.s32 $0x87A0;
	s17 =	simm.s32 $0xAFA0  }
0x7: {  	s19 =	simm.s32 $0xD7A0;
	s21 =	simm.s32 $0xFFA0;
	s23 =	simm.s32 $0x127A0  }
0x8: {  	s28 =	simm.s32 $0x4;
	s29 =	simm.s32 $0x5;
	s30 =	simm.s32 $0x6  }
0x9: {  	s31 =	simm.s32 $0x7;
	s12 =	simm.s32 $0xA;
	s14 =	simm.s32 $0xB  }
0xa: {  	s16 =	simm.s32 $0xC;
	s18 =	simm.s32 $0xD;
	s20 =	simm.s32 $0xE  }
0xb: {  	s22 =	simm.s32 $0xF;
	s5 =	sand.u32 $0x1, s3;
	s6 =	sshll.u32 s4, $0x1  }
0xc: {  	s7 =	smul.u32 $0x1900, s4;
	s3 =	simm.s32 $0x0;
	p0 =	sne.s32 s4, $0x0  }
0xd: {  	s4 =	simm.s32 $0x10;
	s6 =	sor.u32 s5, s6;
	s8 =	smul.u32 $0xC80, s5  }
0xe: {  	[smem:$0x7FF] =	sst s3;
	s5 =	ssub.s32 $0x2, s5;
	s6 =	smul.u32 $0xC80, s6  }
0xf: {  	_ =	strace $0x80000047;
	s24 =	sshrl.u32 s5, $0x1;
	s7 =	sadd.s32 s8, s7  }
0x10: {  	s5 =	ssub.s32 s5, s24;
	s24 =	simm.s32 $0x1;
	s6 =	smin.u32 s6, $0x17A20  }
0x11: {  	s7 =	smin.u32 s7, $0x17A20;
	s26 =	smax.u32 s5, $0x1;
	s6 =	sshrl.u32 s6, $0x3  }
.Ltmp0:
0x12: {  	s7 =	sshll.u32 s7, $0x4;
	[dreg:$0x6] =	wrdreg s26;
	(pc) =	sbr.rel .LBB2_1-.Ltmp0, $4  }
0x13: {  	s26 =	simm.s32 $0x3;
	s0 =	sadd.s32 s0, s6;
	s25 =	sadd.s32 s7, s1  }
0x14: {  	s1 =	simm.s32 $0x9;
	[dreg:$0x5] =	wrdreg s0;
	s0 =	sadd.s32 $0x2300, s25  }
0x15: {  	s6 =	simm.s32 $0x0;
	[dreg:$0x7] =	wrdreg s0;
	s0 =	sshrl.u32 @!p0 s2, $0x3  }
0x16: {  	s25 =	simm.s32 $0x2;
	[dreg:$0x8] =	wrdreg s0;
	s0 =	simm.s32 $0x8  }
.LBB2_4:
0x17: {  	_ =	swait.ge [sflag:s12], $0x2800  }
0x18: {  	[sflag:s12] =	ssyncset.done $0x0  }
0x19: {  	[sflag:s12] =	ssyncadd.s32 $0xFFFFD800  }
0x1a: {  	_ =	swait.ge [sflag:s14], $0x2800  }
0x1b: {  	[sflag:s14] =	ssyncset.done $0x0  }
0x1c: {  	[sflag:s14] =	ssyncadd.s32 $0xFFFFD800  }
0x1d: {  	_ =	swait.ge [sflag:s16], $0x2800  }
0x1e: {  	[sflag:s16] =	ssyncset.done $0x0  }
0x1f: {  	[sflag:s16] =	ssyncadd.s32 $0xFFFFD800  }
0x20: {  	_ =	swait.ge [sflag:s18], $0x2800  }
0x21: {  	[sflag:s18] =	ssyncset.done $0x0  }
0x22: {  	[sflag:s18] =	ssyncadd.s32 $0xFFFFD800  }
0x23: {  	_ =	swait.ge [sflag:s20], $0x2800  }
0x24: {  	[sflag:s20] =	ssyncset.done $0x0  }
0x25: {  	[sflag:s20] =	ssyncadd.s32 $0xFFFFD800  }
0x26: {  	_ =	swait.ge [sflag:s22], $0x2800  }
0x27: {  	[sflag:s22] =	ssyncset.done $0x0  }
0x28: {  	[sflag:s22] =	ssyncadd.s32 $0xFFFFD800  }
0x29: {  	_ =	swait.ge [sflag:s4], $0x2800  }
0x2a: {  	s6 =	rddreg [dreg:$0x9]  }
0x2b: {  	s5 =	rddreg [dreg:$0x6];
	s6 =	sadd.s32 $0x1, s6  }
0x2c: {  	p1 =	sne.s32 s6, s5  }
.Ltmp1:
0x2d: {  	_ = 	snop;
	(pc) =	sbr.rel @!p1 .LBB2_5-.Ltmp1, $3  }
0x2e: {  	_ =	sdelay $0x1  }
0x2f: {  	[sflag:s4] =	ssyncset.done $0x0  }
0x30: {  	[sflag:s4] =	ssyncadd.s32 $0xFFFFD800  }
.LBB2_1:
0x31: {  	[dreg:$0x9] =	wrdreg s6  }
0x32: {  	s5 =	rddreg [dreg:$0x5]  }
0x33: {  	s7 =	rddreg [dreg:$0x8]  }
0x34: {  	[tilespmem:s3], [sflag:$0x11] =	stream.linear.gather [hbm4b:s5+s3], $0xC80, $0x38;
	[tilespmem:$0x14FA0] =	vst v63  }
0x35: {  	s6 =	simm.s32 @!p0 $0x1C12;
	s5 =	rddreg [dreg:$0x1]  }
0x36: {  	[spmem:s7], [sflag:s6] =	dma.local @!p0 [hbm:s5], $0x640  }
0x37: {  	s6 =	simm.s32 @!p0 $0x12  }
0x38: {  	_ =	swait.ge @!p0 [sflag:s6], $0x640  }
0x39: {  	[sflag:s6] =	ssyncset.done @!p0 $0x0  }
0x3a: {  	s8 =	simm.s32 $0x11;
	[sflag:s6] =	ssyncadd.s32 @!p0 $0xFFFFF9C0  }
0x3b: {  	_ =	swait.ge [sflag:s8], $0xC80  }
0x3c: {  	[sflag:s8] =	ssyncset.done $0x0  }
0x3d: {  	[sflag:s8] =	ssyncadd.s32 $0xFFFFF380  }
0x3e: {  	[bflag:$0x0] =	sbarrier.arrive $0xFFFF  }
0x3f: {  	[tilespmem:s10], [sflag:$0x1] =	stream.indirect.gather [spmem:s2], $0x80, s3, s9, $0xb8;
	[tilespmem:$0x14FA0] =	vst v63  }
0x40: {  	_ = 	snop  }
0x41: {  	[tilespmem:s11], [sflag:$0x2] =	stream.indirect.gather [spmem:s2], $0x80, s9, s9, $0xb8;
	[tilespmem:$0x14FA0] =	vst v63  }
0x42: {  	s6 =	simm.s32 $0xA0  }
0x43: {  	[tilespmem:s13], [sflag:$0x3] =	stream.indirect.gather [spmem:s2], $0x80, s6, s9, $0xb8;
	[tilespmem:$0x14FA0] =	vst v63  }
0x44: {  	s7 =	simm.s32 $0xF0  }
0x45: {  	[tilespmem:s15], [sflag:$0x4] =	stream.indirect.gather [spmem:s2], $0x80, s7, s9, $0xb8;
	[tilespmem:$0x14FA0] =	vst v63  }
0x46: {  	s8 =	simm.s32 $0x140  }
0x47: {  	[tilespmem:s17], [sflag:$0x5] =	stream.indirect.gather [spmem:s2], $0x80, s8, s9, $0xb8;
	[tilespmem:$0x14FA0] =	vst v63  }
0x48: {  	s6 =	simm.s32 $0x190  }
0x49: {  	[tilespmem:s19], [sflag:$0x6] =	stream.indirect.gather [spmem:s2], $0x80, s6, s9, $0xb8;
	[tilespmem:$0x14FA0] =	vst v63  }
0x4a: {  	s7 =	simm.s32 $0x1E0  }
0x4b: {  	[tilespmem:s21], [sflag:$0x7] =	stream.indirect.gather [spmem:s2], $0x80, s7, s9, $0xb8;
	[tilespmem:$0x14FA0] =	vst v63  }
0x4c: {  	s8 =	simm.s32 $0x230;
	s6 =	rddreg [dreg:$0x7];
	s7 =	simm.s32 $0x0  }
0x4d: {  	[tilespmem:s23], [sflag:$0x8] =	stream.indirect.gather [spmem:s2], $0x80, s8, s9, $0xb8;
	[tilespmem:$0x14FA0] =	vst v63  }
.LBB2_2:
0x4e: {  	_ =	swait.ge [sflag:s24], $0x2800  }
0x4f: {  	[sflag:s24] =	ssyncset.done $0x0  }
0x50: {  	s8 =	sadd.s32 $0xFFFFDD00, s6;
	[sflag:s24] =	ssyncadd.s32 $0xFFFFD800  }
0x51: {  	[hbm4b:s8+s3] =	stream.linear.scatter [tilespmem:s10], [sflag:$0x9], $0x2800, $0x38;
	[tilespmem:$0x14FA0] =	vst v63  }
0x52: {  	_ =	swait.ge [sflag:s25], $0x2800  }
0x53: {  	[sflag:s25] =	ssyncset.done $0x0  }
0x54: {  	s5 =	sadd.s32 $0xFFFFE200, s6;
	[sflag:s25] =	ssyncadd.s32 $0xFFFFD800  }
0x55: {  	[hbm4b:s5+s3] =	stream.linear.scatter [tilespmem:s11], [sflag:$0xA], $0x2800, $0x38;
	[tilespmem:$0x14FA0] =	vst v63  }
0x56: {  	_ =	swait.ge [sflag:s26], $0x2800  }
0x57: {  	[sflag:s26] =	ssyncset.done $0x0  }
0x58: {  	s5 =	sadd.s32 $0xFFFFE700, s6;
	[sflag:s26] =	ssyncadd.s32 $0xFFFFD800  }
0x59: {  	[hbm4b:s5+s3] =	stream.linear.scatter [tilespmem:s13], [sflag:$0xB], $0x2800, $0x38;
	[tilespmem:$0x14FA0] =	vst v63  }
0x5a: {  	_ =	swait.ge [sflag:s28], $0x2800  }
0x5b: {  	[sflag:s28] =	ssyncset.done $0x0  }
0x5c: {  	s5 =	sadd.s32 $0xFFFFEC00, s6;
	[sflag:s28] =	ssyncadd.s32 $0xFFFFD800  }
0x5d: {  	[hbm4b:s5+s3] =	stream.linear.scatter [tilespmem:s15], [sflag:$0xC], $0x2800, $0x38;
	[tilespmem:$0x14FA0] =	vst v63  }
0x5e: {  	_ =	swait.ge [sflag:s29], $0x2800  }
0x5f: {  	[sflag:s29] =	ssyncset.done $0x0  }
0x60: {  	s5 =	sadd.s32 $0xFFFFF100, s6;
	[sflag:s29] =	ssyncadd.s32 $0xFFFFD800  }
0x61: {  	[hbm4b:s5+s3] =	stream.linear.scatter [tilespmem:s17], [sflag:$0xD], $0x2800, $0x38;
	[tilespmem:$0x14FA0] =	vst v63  }
0x62: {  	_ =	swait.ge [sflag:s30], $0x2800  }
0x63: {  	[sflag:s30] =	ssyncset.done $0x0  }
0x64: {  	s5 =	sadd.s32 $0xFFFFF600, s6;
	[sflag:s30] =	ssyncadd.s32 $0xFFFFD800  }
0x65: {  	[hbm4b:s5+s3] =	stream.linear.scatter [tilespmem:s19], [sflag:$0xE], $0x2800, $0x38;
	[tilespmem:$0x14FA0] =	vst v63  }
0x66: {  	_ =	swait.ge [sflag:s31], $0x2800  }
0x67: {  	[sflag:s31] =	ssyncset.done $0x0  }
0x68: {  	s5 =	sadd.s32 $0xFFFFFB00, s6;
	[sflag:s31] =	ssyncadd.s32 $0xFFFFD800  }
0x69: {  	[hbm4b:s5+s3] =	stream.linear.scatter [tilespmem:s21], [sflag:$0xF], $0x2800, $0x38;
	[tilespmem:$0x14FA0] =	vst v63  }
0x6a: {  	_ =	swait.ge [sflag:s0], $0x2800  }
0x6b: {  	p1 =	seq.s32 s7, $0x2800;
	[sflag:s0] =	ssyncset.done $0x0  }
.Ltmp2:
0x6c: {  	[sflag:s0] =	ssyncadd.s32 $0xFFFFD800;
	(pc) =	sbr.rel @p1 .LBB2_4-.Ltmp2, $4  }
0x6d: {  	[hbm4b:s6+s3] =	stream.linear.scatter [tilespmem:s23], [sflag:$0x10], $0x2800, $0x38;
	[tilespmem:$0x14FA0] =	vst v63  }
0x6e: {  	_ =	swait.ge [sflag:s1], $0x2800  }
0x6f: {  	[sflag:s1] =	ssyncset.done $0x0  }
0x70: {  	[sflag:s1] =	ssyncadd.s32 $0xFFFFD800  }
0x71: {  	s8 =	sshra.s32 s7, $0x2  }
0x72: {  	s5 =	sadd.s32 $0x280, s8  }
0x73: {  	[tilespmem:s10], [sflag:$0x1] =	stream.indirect.gather [spmem:s2], $0x80, s5, s9, $0xb8;
	[tilespmem:$0x14FA0] =	vst v63  }
0x74: {  	_ =	swait.ge [sflag:s12], $0x2800  }
0x75: {  	[sflag:s12] =	ssyncset.done $0x0  }
0x76: {  	s5 =	sadd.s32 $0x2D0, s8;
	[sflag:s12] =	ssyncadd.s32 $0xFFFFD800  }
0x77: {  	[tilespmem:s11], [sflag:$0x2] =	stream.indirect.gather [spmem:s2], $0x80, s5, s9, $0xb8;
	[tilespmem:$0x14FA0] =	vst v63  }
0x78: {  	_ =	swait.ge [sflag:s14], $0x2800  }
0x79: {  	[sflag:s14] =	ssyncset.done $0x0  }
0x7a: {  	s5 =	sadd.s32 $0x320, s8;
	[sflag:s14] =	ssyncadd.s32 $0xFFFFD800  }
0x7b: {  	[tilespmem:s13], [sflag:$0x3] =	stream.indirect.gather [spmem:s2], $0x80, s5, s9, $0xb8;
	[tilespmem:$0x14FA0] =	vst v63  }
0x7c: {  	_ =	swait.ge [sflag:s16], $0x2800  }
0x7d: {  	[sflag:s16] =	ssyncset.done $0x0  }
0x7e: {  	s5 =	sadd.s32 $0x370, s8;
	[sflag:s16] =	ssyncadd.s32 $0xFFFFD800  }
0x7f: {  	[tilespmem:s15], [sflag:$0x4] =	stream.indirect.gather [spmem:s2], $0x80, s5, s9, $0xb8;
	[tilespmem:$0x14FA0] =	vst v63  }
0x80: {  	_ =	swait.ge [sflag:s18], $0x2800  }
0x81: {  	[sflag:s18] =	ssyncset.done $0x0  }
0x82: {  	s5 =	sadd.s32 $0x3C0, s8;
	[sflag:s18] =	ssyncadd.s32 $0xFFFFD800  }
0x83: {  	[tilespmem:s17], [sflag:$0x5] =	stream.indirect.gather [spmem:s2], $0x80, s5, s9, $0xb8;
	[tilespmem:$0x14FA0] =	vst v63  }
0x84: {  	_ =	swait.ge [sflag:s20], $0x2800  }
0x85: {  	[sflag:s20] =	ssyncset.done $0x0  }
0x86: {  	s5 =	sadd.s32 $0x410, s8;
	[sflag:s20] =	ssyncadd.s32 $0xFFFFD800  }
0x87: {  	[tilespmem:s19], [sflag:$0x6] =	stream.indirect.gather [spmem:s2], $0x80, s5, s9, $0xb8;
	[tilespmem:$0x14FA0] =	vst v63  }
0x88: {  	_ =	swait.ge [sflag:s22], $0x2800  }
0x89: {  	[sflag:s22] =	ssyncset.done $0x0  }
0x8a: {  	s5 =	sadd.s32 $0x460, s8;
	[sflag:s22] =	ssyncadd.s32 $0xFFFFD800  }
0x8b: {  	[tilespmem:s21], [sflag:$0x7] =	stream.indirect.gather [spmem:s2], $0x80, s5, s9, $0xb8;
	[tilespmem:$0x14FA0] =	vst v63  }
.Ltmp3:
0x8c: {  	_ = 	snop;
	(pc) =	sbr.rel .LBB2_2-.Ltmp3, $4  }
0x8d: {  	_ =	swait.ge [sflag:s4], $0x2800  }
0x8e: {  	s7 =	sadd.s32 $0xA00, s7;
	[sflag:s4] =	ssyncset.done $0x0  }
0x8f: {  	s6 =	sadd.s32 $0x2800, s6;
	s8 =	sadd.s32 $0x4B0, s8;
	[sflag:s4] =	ssyncadd.s32 $0xFFFFD800  }
0x90: {  	[tilespmem:s23], [sflag:$0x8] =	stream.indirect.gather [spmem:s2], $0x80, s8, s9, $0xb8;
	[tilespmem:$0x14FA0] =	vst v63  }
.LBB2_5:
0x91: {  	_ =	sfence.sel $0x180000  }
0x92: {  	[bflag:$0x0] =	sbarrier.arrive $0xFFFF  }
0x93: {  	_ =	strace $0x90000047  }
0x94: {  	[bflag:$0x2] =	sbarrier.arrive $0xFFFF  }
0x95: {  	s0 =	rddreg [dreg:$0x4]  }
0x96: {  	s0 =	sadd.s32 @!p0 $0x100000, s0  }
0x97: {  	[sflag:s0] =	ssyncadd.tile.s32 @!p0 $0x1;
	_ =	shalt  }
.Lfunc_end2:
_tile_overlayer_lowered:
.L_overlay_start_2:
0x98: {  	(tag) =	ssettag $0x2  }
0x99: {  	s0 =	rddreg [dreg:$0x0];
	s2 =	stileid.u32  }
0x9a: {  	s1 =	rddreg [dreg:$0x1];
	p0 =	sne.s32 s2, $0x0  }
0x9b: {  	s3 =	rddreg [dreg:$0x2];
	[bflag:$0x3] =	sbarrier.arrive $0xFFFF;
	s2 =	simm.s32 @!p0 $0x1C12  }
0x9c: {  	[timem:s3], [sflag:s2] =	dma.local @!p0 [hbm:s0], s1  }
0x9d: {  	s0 =	simm.s32 @!p0 $0x12  }
0x9e: {  	_ =	swait.ge @!p0 [sflag:s0], s1  }
0x9f: {  	s1 =	ssub.s32 @!p0 $0x0, s1;
	[sflag:s0] =	ssyncset.done @!p0 $0x0  }
0xa0: {  	[sflag:s0] =	ssyncadd.s32 @!p0 s1  }
0xa1: {  	[bflag:$0x3] =	sbarrier.arrive $0xFFFF  }
0xa2: {  	_ =	shalt  }

</sc_bundles>
